<compile_context>
chip_gen: v7x
topology: tpu7x:2x2x1
jax: 0.10.2.dev20260603
libtpu: 0.0.44.dev20260713+nightly
codegen_flags: <defaults>
</compile_context>

<pallas_src>
import functools

import jax
import jax.numpy as jnp
from jax import lax
from jax.experimental import pallas as pl
from jax.experimental.pallas import tpu as pltpu
from jax.experimental.pallas import tpu_sc as plsc

B, S, D, V = 4096, 200, 64, 1000000
NC, NS = 2, 16
NW = NC * NS
ROWS = B * S
RPW = ROWS // NW
CH = 128
NCH = RPW // CH
NBUF = 6
PD = 3
POSREP = 320


def _body(x_ref, tok_ref, pos_ref, out_ref, idx_all, pos2, bufs, gsem, osem):
    wid = lax.axis_index("s") * NC + lax.axis_index("c")
    irow0 = wid * NCH
    orow0 = wid * RPW

    pltpu.sync_copy(x_ref.at[pl.ds(irow0, NCH)], idx_all)
    pltpu.sync_copy(pos_ref, pos2.at[pl.ds(0, S)])
    pltpu.sync_copy(pos_ref.at[pl.ds(0, POSREP - S)], pos2.at[pl.ds(S, POSREP - S)])

    def start_gather(g):
        slot = lax.rem(g, NBUF)
        pltpu.async_copy(tok_ref.at[idx_all.at[g]], bufs.at[slot], gsem.at[slot])

    def wait_gather(slot):
        pltpu.make_async_copy(
            tok_ref.at[idx_all.at[0]], bufs.at[slot], gsem.at[slot]).wait()

    def start_out(g, slot):
        pltpu.async_copy(
            bufs.at[slot], out_ref.at[pl.ds(orow0 + g * CH, CH)], osem.at[slot])

    def wait_out(slot):
        pltpu.make_async_copy(
            bufs.at[slot], out_ref.at[pl.ds(orow0, CH)], osem.at[slot]).wait()

    for g in range(PD):
        start_gather(g)

    def chunk(lg, carry):
        slot = lax.rem(lg, NBUF)
        gn = lg + PD

        @pl.when(gn < NCH)
        def _():
            @pl.when(lg >= PD)
            def _():
                wait_out(lax.rem(gn, NBUF))
            start_gather(gn)

        wait_gather(slot)

        o = lax.rem(lg * CH, S)

        @plsc.parallel_loop(0, CH, step=1, unroll=8)
        def _add(r):
            for q in range(D // 16):
                bufs[slot, r, pl.ds(q * 16, 16)] = (
                    bufs[slot, r, pl.ds(q * 16, 16)]
                    + pos2[o + r, pl.ds(q * 16, 16)])

        start_out(lg, slot)
        return carry

    lax.fori_loop(0, NCH, chunk, 0)
    for k in range(NBUF):
        wait_out(k)


_sc_call = functools.partial(
    pl.kernel,
    out_type=jax.ShapeDtypeStruct((ROWS, D), jnp.float32),
    mesh=plsc.VectorSubcoreMesh(
        core_axis_name="c", subcore_axis_name="s",
        num_cores=NC, num_subcores=NS),
    scratch_types=[
        pltpu.VMEM((NCH, CH), jnp.int32),
        pltpu.VMEM((POSREP, D), jnp.float32),
        pltpu.VMEM((NBUF, CH, D), jnp.float32),
        pltpu.SemaphoreType.DMA((NBUF,)),
        pltpu.SemaphoreType.DMA((NBUF,)),
    ],
    compiler_params=pltpu.CompilerParams(use_tc_tiling_on_sc=False),
)(_body)


def kernel(x, token_table, position_table):
    x2 = x.astype(jnp.int32).reshape(ROWS // CH, CH)
    out = _sc_call(x2, token_table, position_table)
    return out.reshape(B, S, D)

# --- scband reference (transcript-rebuilt; emitter-appended) ---
"""Pipeline reference for scband-positional-embedding-28295244546104 (READ-ONLY COPY).

The authoritative reference and input builder live on the scoring server;
editing this copy changes nothing except your own understanding.
"""

import jax, jax.numpy as jnp
import numpy as np

VOCAB = 1000000
MAX_LEN = 200
EMBED_DIM = 64
BATCH = 4096
SEQ = 200

def setup_inputs(seed: int = 0) -> dict:
    key = jax.random.key(seed)
    k1, k2, k3 = jax.random.split(key, 3)
    x = jax.random.randint(k1, (BATCH, SEQ), 0, VOCAB, dtype=jnp.int64 if jax.config.jax_enable_x64 else jnp.int32)
    token_table = jax.random.normal(k2, (VOCAB, EMBED_DIM), dtype=jnp.float32) * 0.02
    position_table = jax.random.normal(k3, (MAX_LEN, EMBED_DIM), dtype=jnp.float32) * 0.02
    return {"x": x, "token_table": token_table, "position_table": position_table}

def reference(x, token_table, position_table):
    # positions = arange(seq_len)[None, :]
    positions = jnp.arange(x.shape[1])[None, :]  # [1, S]
    pos_embed = jnp.take(position_table, positions, axis=0)  # [1, S, D]
    tok_embed = jnp.take(token_table, x, axis=0)  # [B, S, D]
    return tok_embed + pos_embed

if __name__ == "__main__":
    import jax
    _d = setup_inputs()
    print(jax.jit(kernel)(*tuple(_d.values())))

</pallas_src>

<mosaic_0001>
#map = affine_map<(d0, d1) -> (0, 0)>
module attributes {stable_mosaic.version = 14 : i64} {
  func.func @_body(%arg0: i32, %arg1: i32, %arg2: memref<6400x128xi32, #tpu.memory_space<hbm>>, %arg3: memref<1000000x64xf32, #tpu.memory_space<hbm>>, %arg4: memref<200x64xf32, #tpu.memory_space<hbm>>, %arg5: memref<819200x64xf32, #tpu.memory_space<hbm>>, %arg6: memref<200x128xi32, #tpu.memory_space<vmem>>, %arg7: memref<320x64xf32, #tpu.memory_space<vmem>>, %arg8: memref<6x128x64xf32, #tpu.memory_space<vmem>>, %arg9: memref<6x!tpu.dma_semaphore, #tpu.memory_space<semaphore_mem>>, %arg10: memref<6x!tpu.dma_semaphore, #tpu.memory_space<semaphore_mem>>) attributes {dimension_semantics = [#tpu.dimension_semantics<core_parallel>, #tpu.dimension_semantics<subcore_parallel>], iteration_bounds = array<i64: 2, 16>, scalar_prefetch = 0 : i64, scratch_operands = 5 : i64, tpu.core_type = #tpu.core_type<sc_vector_subcore>, window_params = [{transform_indices = #map}, {transform_indices = #map}, {transform_indices = #map}, {transform_indices = #map}]} {
    %mul3A = arith.constant 2 : i32
    %mul3A_0 = arith.muli %arg1, %mul3A : i32
    %add3A = arith.addi %mul3A_0, %arg0 : i32
    %mul3A_1 = arith.constant 200 : i32
    %mul3A_2 = arith.muli %add3A, %mul3A_1 : i32
    %mul3A_3 = arith.constant 25600 : i32
    %mul3A_4 = arith.muli %add3A, %mul3A_3 : i32
    "tpu.region"() ({
      %run_scoped3A = tpu.sem_alloc : memref<!tpu.dma_semaphore, #tpu.memory_space<semaphore_mem>>
      %dma_start3A_151 = arith.constant 0 : i32
      %dma_start3A_152 = tpu.memref_slice %arg2[%mul3A_2, %dma_start3A_151] : memref<6400x128xi32, #tpu.memory_space<hbm>> -> memref<200x128xi32, #tpu.memory_space<hbm>>
      %dma_start3A_153 = arith.constant 0 : i32
      %dma_start3A_154 = tpu.memref_slice %arg2[%mul3A_2, %dma_start3A_153] : memref<6400x128xi32, #tpu.memory_space<hbm>> -> memref<200x128xi32, #tpu.memory_space<hbm>>
      tpu.enqueue_dma source(%dma_start3A_154 : memref<200x128xi32, #tpu.memory_space<hbm>>) target(%arg6 : memref<200x128xi32, #tpu.memory_space<vmem>>) target_semaphore(%run_scoped3A : memref<!tpu.dma_semaphore, #tpu.memory_space<semaphore_mem>>)
      %dma_wait3A_155 = arith.constant 0 : i32
      %dma_wait3A_156 = tpu.memref_slice %arg2[%mul3A_2, %dma_wait3A_155] : memref<6400x128xi32, #tpu.memory_space<hbm>> -> memref<200x128xi32, #tpu.memory_space<hbm>>
      %dma_wait3A_157 = arith.constant 0 : i32
      %dma_wait3A_158 = tpu.memref_slice %arg2[%mul3A_2, %dma_wait3A_157] : memref<6400x128xi32, #tpu.memory_space<hbm>> -> memref<200x128xi32, #tpu.memory_space<hbm>>
      tpu.wait_dma2 semaphore(%run_scoped3A : memref<!tpu.dma_semaphore, #tpu.memory_space<semaphore_mem>>) src(%dma_wait3A_158 : memref<200x128xi32, #tpu.memory_space<hbm>>) dst(%arg6 : memref<200x128xi32, #tpu.memory_space<vmem>>)
      tpu.yield
    }) : () -> ()
    "tpu.region"() ({
      %run_scoped3A = tpu.sem_alloc : memref<!tpu.dma_semaphore, #tpu.memory_space<semaphore_mem>>
      %dma_start3A_151 = arith.constant 0 : i32
      %dma_start3A_152 = arith.constant 0 : i32
      %dma_start3A_153 = tpu.memref_slice %arg7[%dma_start3A_151, %dma_start3A_152] : memref<320x64xf32, #tpu.memory_space<vmem>> -> memref<200x64xf32, #tpu.memory_space<vmem>>
      %dma_start3A_154 = arith.constant 0 : i32
      %dma_start3A_155 = arith.constant 0 : i32
      %dma_start3A_156 = tpu.memref_slice %arg7[%dma_start3A_154, %dma_start3A_155] : memref<320x64xf32, #tpu.memory_space<vmem>> -> memref<200x64xf32, #tpu.memory_space<vmem>>
      tpu.enqueue_dma source(%arg4 : memref<200x64xf32, #tpu.memory_space<hbm>>) target(%dma_start3A_156 : memref<200x64xf32, #tpu.memory_space<vmem>>) target_semaphore(%run_scoped3A : memref<!tpu.dma_semaphore, #tpu.memory_space<semaphore_mem>>)
      %dma_wait3A_157 = arith.constant 0 : i32
      %dma_wait3A_158 = arith.constant 0 : i32
      %dma_wait3A_159 = tpu.memref_slice %arg7[%dma_wait3A_157, %dma_wait3A_158] : memref<320x64xf32, #tpu.memory_space<vmem>> -> memref<200x64xf32, #tpu.memory_space<vmem>>
      %dma_wait3A_160 = arith.constant 0 : i32
      %dma_wait3A_161 = arith.constant 0 : i32
      %dma_wait3A_162 = tpu.memref_slice %arg7[%dma_wait3A_160, %dma_wait3A_161] : memref<320x64xf32, #tpu.memory_space<vmem>> -> memref<200x64xf32, #tpu.memory_space<vmem>>
      tpu.wait_dma2 semaphore(%run_scoped3A : memref<!tpu.dma_semaphore, #tpu.memory_space<semaphore_mem>>) src(%arg4 : memref<200x64xf32, #tpu.memory_space<hbm>>) dst(%dma_wait3A_162 : memref<200x64xf32, #tpu.memory_space<vmem>>)
      tpu.yield
    }) : () -> ()
    "tpu.region"() ({
      %run_scoped3A = tpu.sem_alloc : memref<!tpu.dma_semaphore, #tpu.memory_space<semaphore_mem>>
      %dma_start3A_151 = arith.constant 200 : i32
      %dma_start3A_152 = arith.constant 0 : i32
      %dma_start3A_153 = tpu.memref_slice %arg7[%dma_start3A_151, %dma_start3A_152] : memref<320x64xf32, #tpu.memory_space<vmem>> -> memref<120x64xf32, #tpu.memory_space<vmem>>
      %dma_start3A_154 = arith.constant 0 : i32
      %dma_start3A_155 = arith.constant 0 : i32
      %dma_start3A_156 = tpu.memref_slice %arg4[%dma_start3A_154, %dma_start3A_155] : memref<200x64xf32, #tpu.memory_space<hbm>> -> memref<120x64xf32, #tpu.memory_space<hbm>>
      %dma_start3A_157 = arith.constant 200 : i32
      %dma_start3A_158 = arith.constant 0 : i32
      %dma_start3A_159 = tpu.memref_slice %arg7[%dma_start3A_157, %dma_start3A_158] : memref<320x64xf32, #tpu.memory_space<vmem>> -> memref<120x64xf32, #tpu.memory_space<vmem>>
      %dma_start3A_160 = arith.constant 0 : i32
      %dma_start3A_161 = arith.constant 0 : i32
      %dma_start3A_162 = tpu.memref_slice %arg4[%dma_start3A_160, %dma_start3A_161] : memref<200x64xf32, #tpu.memory_space<hbm>> -> memref<120x64xf32, #tpu.memory_space<hbm>>
      tpu.enqueue_dma source(%dma_start3A_162 : memref<120x64xf32, #tpu.memory_space<hbm>>) target(%dma_start3A_159 : memref<120x64xf32, #tpu.memory_space<vmem>>) target_semaphore(%run_scoped3A : memref<!tpu.dma_semaphore, #tpu.memory_space<semaphore_mem>>)
      %dma_wait3A_163 = arith.constant 200 : i32
      %dma_wait3A_164 = arith.constant 0 : i32
      %dma_wait3A_165 = tpu.memref_slice %arg7[%dma_wait3A_163, %dma_wait3A_164] : memref<320x64xf32, #tpu.memory_space<vmem>> -> memref<120x64xf32, #tpu.memory_space<vmem>>
      %dma_wait3A_166 = arith.constant 0 : i32
      %dma_wait3A_167 = arith.constant 0 : i32
      %dma_wait3A_168 = tpu.memref_slice %arg4[%dma_wait3A_166, %dma_wait3A_167] : memref<200x64xf32, #tpu.memory_space<hbm>> -> memref<120x64xf32, #tpu.memory_space<hbm>>
      %dma_wait3A_169 = arith.constant 200 : i32
      %dma_wait3A_170 = arith.constant 0 : i32
      %dma_wait3A_171 = tpu.memref_slice %arg7[%dma_wait3A_169, %dma_wait3A_170] : memref<320x64xf32, #tpu.memory_space<vmem>> -> memref<120x64xf32, #tpu.memory_space<vmem>>
      %dma_wait3A_172 = arith.constant 0 : i32
      %dma_wait3A_173 = arith.constant 0 : i32
      %dma_wait3A_174 = tpu.memref_slice %arg4[%dma_wait3A_172, %dma_wait3A_173] : memref<200x64xf32, #tpu.memory_space<hbm>> -> memref<120x64xf32, #tpu.memory_space<hbm>>
      tpu.wait_dma2 semaphore(%run_scoped3A : memref<!tpu.dma_semaphore, #tpu.memory_space<semaphore_mem>>) src(%dma_wait3A_174 : memref<120x64xf32, #tpu.memory_space<hbm>>) dst(%dma_wait3A_171 : memref<120x64xf32, #tpu.memory_space<vmem>>)
      tpu.yield
    }) : () -> ()
    %rem3A = arith.constant 0 : i32
    %rem3A_5 = arith.constant 6 : i32
    %rem3A_6 = arith.remsi %rem3A, %rem3A_5 : i32
    %dma_start3A = arith.constant 0 : i32
    %dma_start3A_7 = arith.constant 0 : i32
    %dma_start3A_8 = arith.constant 0 : i32
    %dma_start3A_9 = tpu.memref_slice %arg8[%rem3A_6, %dma_start3A_7, %dma_start3A_8] : memref<6x128x64xf32, #tpu.memory_space<vmem>> -> memref<1x128x64xf32, #tpu.memory_space<vmem>>
    %dma_start3A_10 = tpu.memref_squeeze %dma_start3A_9 : memref<1x128x64xf32, #tpu.memory_space<vmem>> -> memref<128x64xf32, #tpu.memory_space<vmem>>
    %dma_start3A_11 = arith.constant 0 : i32
    %dma_start3A_12 = tpu.memref_slice %arg6[%dma_start3A, %dma_start3A_11] : memref<200x128xi32, #tpu.memory_space<vmem>> -> memref<1x128xi32, #tpu.memory_space<vmem>>
    %dma_start3A_13 = tpu.memref_squeeze %dma_start3A_12 : memref<1x128xi32, #tpu.memory_space<vmem>> -> memref<128xi32, #tpu.memory_space<vmem>>
    %dma_start3A_14 = arith.constant 0 : i32
    %dma_start3A_15 = arith.constant 0 : i32
    %dma_start3A_16 = tpu.memref_slice %arg3[%dma_start3A_14, %dma_start3A_15] : memref<1000000x64xf32, #tpu.memory_space<hbm>> -> memref<1000000x64xf32, #tpu.memory_space<hbm>>
    %dma_start3A_17 = tpu.memref_slice %arg9[%rem3A_6] : memref<6x!tpu.dma_semaphore, #tpu.memory_space<semaphore_mem>> -> memref<1x!tpu.dma_semaphore, #tpu.memory_space<semaphore_mem>>
    %dma_start3A_18 = tpu.memref_squeeze %dma_start3A_17 : memref<1x!tpu.dma_semaphore, #tpu.memory_space<semaphore_mem>> -> memref<!tpu.dma_semaphore, #tpu.memory_space<semaphore_mem>>
    tpu.enqueue_indirect_dma source(%dma_start3A_16 : memref<1000000x64xf32, #tpu.memory_space<hbm>>) target(%dma_start3A_10 : memref<128x64xf32, #tpu.memory_space<vmem>>) offsets(%dma_start3A_13 : memref<128xi32, #tpu.memory_space<vmem>>) semaphore(%dma_start3A_18 : memref<!tpu.dma_semaphore, #tpu.memory_space<semaphore_mem>>)
    %rem3A_19 = arith.constant 1 : i32
    %rem3A_20 = arith.constant 6 : i32
    %rem3A_21 = arith.remsi %rem3A_19, %rem3A_20 : i32
    %dma_start3A_22 = arith.constant 1 : i32
    %dma_start3A_23 = arith.constant 0 : i32
    %dma_start3A_24 = arith.constant 0 : i32
    %dma_start3A_25 = tpu.memref_slice %arg8[%rem3A_21, %dma_start3A_23, %dma_start3A_24] : memref<6x128x64xf32, #tpu.memory_space<vmem>> -> memref<1x128x64xf32, #tpu.memory_space<vmem>>
    %dma_start3A_26 = tpu.memref_squeeze %dma_start3A_25 : memref<1x128x64xf32, #tpu.memory_space<vmem>> -> memref<128x64xf32, #tpu.memory_space<vmem>>
    %dma_start3A_27 = arith.constant 0 : i32
    %dma_start3A_28 = tpu.memref_slice %arg6[%dma_start3A_22, %dma_start3A_27] : memref<200x128xi32, #tpu.memory_space<vmem>> -> memref<1x128xi32, #tpu.memory_space<vmem>>
    %dma_start3A_29 = tpu.memref_squeeze %dma_start3A_28 : memref<1x128xi32, #tpu.memory_space<vmem>> -> memref<128xi32, #tpu.memory_space<vmem>>
    %dma_start3A_30 = arith.constant 0 : i32
    %dma_start3A_31 = arith.constant 0 : i32
    %dma_start3A_32 = tpu.memref_slice %arg3[%dma_start3A_30, %dma_start3A_31] : memref<1000000x64xf32, #tpu.memory_space<hbm>> -> memref<1000000x64xf32, #tpu.memory_space<hbm>>
    %dma_start3A_33 = tpu.memref_slice %arg9[%rem3A_21] : memref<6x!tpu.dma_semaphore, #tpu.memory_space<semaphore_mem>> -> memref<1x!tpu.dma_semaphore, #tpu.memory_space<semaphore_mem>>
    %dma_start3A_34 = tpu.memref_squeeze %dma_start3A_33 : memref<1x!tpu.dma_semaphore, #tpu.memory_space<semaphore_mem>> -> memref<!tpu.dma_semaphore, #tpu.memory_space<semaphore_mem>>
    tpu.enqueue_indirect_dma source(%dma_start3A_32 : memref<1000000x64xf32, #tpu.memory_space<hbm>>) target(%dma_start3A_26 : memref<128x64xf32, #tpu.memory_space<vmem>>) offsets(%dma_start3A_29 : memref<128xi32, #tpu.memory_space<vmem>>) semaphore(%dma_start3A_34 : memref<!tpu.dma_semaphore, #tpu.memory_space<semaphore_mem>>)
    %rem3A_35 = arith.constant 2 : i32
    %rem3A_36 = arith.constant 6 : i32
    %rem3A_37 = arith.remsi %rem3A_35, %rem3A_36 : i32
    %dma_start3A_38 = arith.constant 2 : i32
    %dma_start3A_39 = arith.constant 0 : i32
    %dma_start3A_40 = arith.constant 0 : i32
    %dma_start3A_41 = tpu.memref_slice %arg8[%rem3A_37, %dma_start3A_39, %dma_start3A_40] : memref<6x128x64xf32, #tpu.memory_space<vmem>> -> memref<1x128x64xf32, #tpu.memory_space<vmem>>
    %dma_start3A_42 = tpu.memref_squeeze %dma_start3A_41 : memref<1x128x64xf32, #tpu.memory_space<vmem>> -> memref<128x64xf32, #tpu.memory_space<vmem>>
    %dma_start3A_43 = arith.constant 0 : i32
    %dma_start3A_44 = tpu.memref_slice %arg6[%dma_start3A_38, %dma_start3A_43] : memref<200x128xi32, #tpu.memory_space<vmem>> -> memref<1x128xi32, #tpu.memory_space<vmem>>
    %dma_start3A_45 = tpu.memref_squeeze %dma_start3A_44 : memref<1x128xi32, #tpu.memory_space<vmem>> -> memref<128xi32, #tpu.memory_space<vmem>>
    %dma_start3A_46 = arith.constant 0 : i32
    %dma_start3A_47 = arith.constant 0 : i32
    %dma_start3A_48 = tpu.memref_slice %arg3[%dma_start3A_46, %dma_start3A_47] : memref<1000000x64xf32, #tpu.memory_space<hbm>> -> memref<1000000x64xf32, #tpu.memory_space<hbm>>
    %dma_start3A_49 = tpu.memref_slice %arg9[%rem3A_37] : memref<6x!tpu.dma_semaphore, #tpu.memory_space<semaphore_mem>> -> memref<1x!tpu.dma_semaphore, #tpu.memory_space<semaphore_mem>>
    %dma_start3A_50 = tpu.memref_squeeze %dma_start3A_49 : memref<1x!tpu.dma_semaphore, #tpu.memory_space<semaphore_mem>> -> memref<!tpu.dma_semaphore, #tpu.memory_space<semaphore_mem>>
    tpu.enqueue_indirect_dma source(%dma_start3A_48 : memref<1000000x64xf32, #tpu.memory_space<hbm>>) target(%dma_start3A_42 : memref<128x64xf32, #tpu.memory_space<vmem>>) offsets(%dma_start3A_45 : memref<128xi32, #tpu.memory_space<vmem>>) semaphore(%dma_start3A_50 : memref<!tpu.dma_semaphore, #tpu.memory_space<semaphore_mem>>)
    %scan3A = arith.constant 0 : i32
    %scan3A_51 = arith.constant 0 : i32
    %scan3A_52 = arith.constant 200 : i32
    %scan3A_53 = arith.addi %scan3A_51, %scan3A_52 : i32
    %scan3A_54 = arith.constant 1 : i32
    scf.for %scan3A_151 = %scan3A_51 to %scan3A_53 step %scan3A_54  : i32 {
      %rem3A_152 = arith.constant 6 : i32
      %rem3A_153 = arith.remsi %scan3A_151, %rem3A_152 : i32
      %add3A_154 = arith.constant 3 : i32
      %add3A_155 = arith.addi %scan3A_151, %add3A_154 : i32
      %lt3A = arith.constant 200 : i32
      %lt3A_156 = arith.cmpi slt, %add3A_155, %lt3A : i32
      %convert_element_type3A = arith.extui %lt3A_156 : i1 to i32
      %cond3A = arith.constant 0 : i32
      %cond3A_157 = arith.cmpi ne, %convert_element_type3A, %cond3A : i32
      scf.if %cond3A_157 {
        %ge3A = arith.constant 3 : i32
        %ge3A_194 = arith.cmpi sge, %scan3A_151, %ge3A : i32
        %convert_element_type3A_195 = arith.extui %ge3A_194 : i1 to i32
        %cond3A_196 = arith.constant 0 : i32
        %cond3A_197 = arith.cmpi ne, %convert_element_type3A_195, %cond3A_196 : i32
        scf.if %cond3A_197 {
          %rem3A_212 = arith.constant 6 : i32
          %rem3A_213 = arith.remsi %add3A_155, %rem3A_212 : i32
          %dma_wait3A_214 = arith.constant 0 : i32
          %dma_wait3A_215 = arith.constant 0 : i32
          %dma_wait3A_216 = tpu.memref_slice %arg8[%rem3A_213, %dma_wait3A_214, %dma_wait3A_215] : memref<6x128x64xf32, #tpu.memory_space<vmem>> -> memref<1x128x64xf32, #tpu.memory_space<vmem>>
          %dma_wait3A_217 = tpu.memref_squeeze %dma_wait3A_216 : memref<1x128x64xf32, #tpu.memory_space<vmem>> -> memref<128x64xf32, #tpu.memory_space<vmem>>
          %dma_wait3A_218 = arith.constant 0 : i32
          %dma_wait3A_219 = tpu.memref_slice %arg5[%mul3A_4, %dma_wait3A_218] : memref<819200x64xf32, #tpu.memory_space<hbm>> -> memref<128x64xf32, #tpu.memory_space<hbm>>
          %dma_wait3A_220 = tpu.memref_slice %arg10[%rem3A_213] : memref<6x!tpu.dma_semaphore, #tpu.memory_space<semaphore_mem>> -> memref<1x!tpu.dma_semaphore, #tpu.memory_space<semaphore_mem>>
          %dma_wait3A_221 = tpu.memref_squeeze %dma_wait3A_220 : memref<1x!tpu.dma_semaphore, #tpu.memory_space<semaphore_mem>> -> memref<!tpu.dma_semaphore, #tpu.memory_space<semaphore_mem>>
          %dma_wait3A_222 = arith.constant 0 : i32
          %dma_wait3A_223 = tpu.memref_slice %arg5[%mul3A_4, %dma_wait3A_222] : memref<819200x64xf32, #tpu.memory_space<hbm>> -> memref<128x64xf32, #tpu.memory_space<hbm>>
          %dma_wait3A_224 = arith.constant 0 : i32
          %dma_wait3A_225 = arith.constant 0 : i32
          %dma_wait3A_226 = tpu.memref_slice %arg8[%rem3A_213, %dma_wait3A_224, %dma_wait3A_225] : memref<6x128x64xf32, #tpu.memory_space<vmem>> -> memref<1x128x64xf32, #tpu.memory_space<vmem>>
          %dma_wait3A_227 = tpu.memref_squeeze %dma_wait3A_226 : memref<1x128x64xf32, #tpu.memory_space<vmem>> -> memref<128x64xf32, #tpu.memory_space<vmem>>
          tpu.wait_dma2 semaphore(%dma_wait3A_221 : memref<!tpu.dma_semaphore, #tpu.memory_space<semaphore_mem>>) src(%dma_wait3A_227 : memref<128x64xf32, #tpu.memory_space<vmem>>) dst(%dma_wait3A_223 : memref<128x64xf32, #tpu.memory_space<hbm>>)
        } else {
        }
        %rem3A_198 = arith.constant 6 : i32
        %rem3A_199 = arith.remsi %add3A_155, %rem3A_198 : i32
        %dma_start3A_200 = arith.constant 0 : i32
        %dma_start3A_201 = arith.constant 0 : i32
        %dma_start3A_202 = tpu.memref_slice %arg8[%rem3A_199, %dma_start3A_200, %dma_start3A_201] : memref<6x128x64xf32, #tpu.memory_space<vmem>> -> memref<1x128x64xf32, #tpu.memory_space<vmem>>
        %dma_start3A_203 = tpu.memref_squeeze %dma_start3A_202 : memref<1x128x64xf32, #tpu.memory_space<vmem>> -> memref<128x64xf32, #tpu.memory_space<vmem>>
        %dma_start3A_204 = arith.constant 0 : i32
        %dma_start3A_205 = tpu.memref_slice %arg6[%add3A_155, %dma_start3A_204] : memref<200x128xi32, #tpu.memory_space<vmem>> -> memref<1x128xi32, #tpu.memory_space<vmem>>
        %dma_start3A_206 = tpu.memref_squeeze %dma_start3A_205 : memref<1x128xi32, #tpu.memory_space<vmem>> -> memref<128xi32, #tpu.memory_space<vmem>>
        %dma_start3A_207 = arith.constant 0 : i32
        %dma_start3A_208 = arith.constant 0 : i32
        %dma_start3A_209 = tpu.memref_slice %arg3[%dma_start3A_207, %dma_start3A_208] : memref<1000000x64xf32, #tpu.memory_space<hbm>> -> memref<1000000x64xf32, #tpu.memory_space<hbm>>
        %dma_start3A_210 = tpu.memref_slice %arg9[%rem3A_199] : memref<6x!tpu.dma_semaphore, #tpu.memory_space<semaphore_mem>> -> memref<1x!tpu.dma_semaphore, #tpu.memory_space<semaphore_mem>>
        %dma_start3A_211 = tpu.memref_squeeze %dma_start3A_210 : memref<1x!tpu.dma_semaphore, #tpu.memory_space<semaphore_mem>> -> memref<!tpu.dma_semaphore, #tpu.memory_space<semaphore_mem>>
        tpu.enqueue_indirect_dma source(%dma_start3A_209 : memref<1000000x64xf32, #tpu.memory_space<hbm>>) target(%dma_start3A_203 : memref<128x64xf32, #tpu.memory_space<vmem>>) offsets(%dma_start3A_206 : memref<128xi32, #tpu.memory_space<vmem>>) semaphore(%dma_start3A_211 : memref<!tpu.dma_semaphore, #tpu.memory_space<semaphore_mem>>)
      } else {
      }
      %dma_wait3A_158 = arith.constant 0 : i32
      %dma_wait3A_159 = arith.constant 0 : i32
      %dma_wait3A_160 = arith.constant 0 : i32
      %dma_wait3A_161 = tpu.memref_slice %arg8[%rem3A_153, %dma_wait3A_159, %dma_wait3A_160] : memref<6x128x64xf32, #tpu.memory_space<vmem>> -> memref<1x128x64xf32, #tpu.memory_space<vmem>>
      %dma_wait3A_162 = tpu.memref_squeeze %dma_wait3A_161 : memref<1x128x64xf32, #tpu.memory_space<vmem>> -> memref<128x64xf32, #tpu.memory_space<vmem>>
      %dma_wait3A_163 = arith.constant 0 : i32
      %dma_wait3A_164 = tpu.memref_slice %arg6[%dma_wait3A_158, %dma_wait3A_163] : memref<200x128xi32, #tpu.memory_space<vmem>> -> memref<1x128xi32, #tpu.memory_space<vmem>>
      %dma_wait3A_165 = tpu.memref_squeeze %dma_wait3A_164 : memref<1x128xi32, #tpu.memory_space<vmem>> -> memref<128xi32, #tpu.memory_space<vmem>>
      %dma_wait3A_166 = arith.constant 0 : i32
      %dma_wait3A_167 = arith.constant 0 : i32
      %dma_wait3A_168 = tpu.memref_slice %arg3[%dma_wait3A_166, %dma_wait3A_167] : memref<1000000x64xf32, #tpu.memory_space<hbm>> -> memref<1000000x64xf32, #tpu.memory_space<hbm>>
      %dma_wait3A_169 = tpu.memref_slice %arg9[%rem3A_153] : memref<6x!tpu.dma_semaphore, #tpu.memory_space<semaphore_mem>> -> memref<1x!tpu.dma_semaphore, #tpu.memory_space<semaphore_mem>>
      %dma_wait3A_170 = tpu.memref_squeeze %dma_wait3A_169 : memref<1x!tpu.dma_semaphore, #tpu.memory_space<semaphore_mem>> -> memref<!tpu.dma_semaphore, #tpu.memory_space<semaphore_mem>>
      tpu.wait_indirect_dma semaphore(%dma_wait3A_170 : memref<!tpu.dma_semaphore, #tpu.memory_space<semaphore_mem>>) src(%dma_wait3A_168 : memref<1000000x64xf32, #tpu.memory_space<hbm>>) dst(%dma_wait3A_162 : memref<128x64xf32, #tpu.memory_space<vmem>>)
      %mul3A_171 = arith.constant 128 : i32
      %mul3A_172 = arith.muli %scan3A_151, %mul3A_171 : i32
      %rem3A_173 = arith.constant 200 : i32
      %rem3A_174 = arith.remsi %mul3A_172, %rem3A_173 : i32
      %parallel_loop3A = arith.constant 0 : i32
      %parallel_loop3A_175 = arith.constant 128 : i32
      %parallel_loop3A_176 = arith.constant 1 : i32
      scf.for %parallel_loop3A_194 = %parallel_loop3A to %parallel_loop3A_175 step %parallel_loop3A_176  : i32 {
        %parallel_loop3A_195 = arith.index_cast %rem3A_153 : i32 to index
        %parallel_loop3A_196 = arith.index_cast %parallel_loop3A_194 : i32 to index
        %parallel_loop3A_197 = arith.constant 0 : index
        %parallel_loop3A_198 = tpu.vector_load %arg8[%parallel_loop3A_195, %parallel_loop3A_196, %parallel_loop3A_197] {strides = array<i32>} : memref<6x128x64xf32, #tpu.memory_space<vmem>>, vector<1x1x16xf32>,
        %parallel_loop3A_199 = vector.shape_cast %parallel_loop3A_198 : vector<1x1x16xf32> to vector<16xf32>
        %parallel_loop3A_200 = arith.addi %rem3A_174, %parallel_loop3A_194 : i32
        %parallel_loop3A_201 = arith.index_cast %parallel_loop3A_200 : i32 to index
        %parallel_loop3A_202 = arith.constant 0 : index
        %parallel_loop3A_203 = tpu.vector_load %arg7[%parallel_loop3A_201, %parallel_loop3A_202] {strides = array<i32>} : memref<320x64xf32, #tpu.memory_space<vmem>>, vector<1x16xf32>,
        %parallel_loop3A_204 = vector.shape_cast %parallel_loop3A_203 : vector<1x16xf32> to vector<16xf32>
        %parallel_loop3A_205 = arith.addf %parallel_loop3A_199, %parallel_loop3A_204 : vector<16xf32>
        %parallel_loop3A_206 = arith.index_cast %rem3A_153 : i32 to index
        %parallel_loop3A_207 = arith.index_cast %parallel_loop3A_194 : i32 to index
        %parallel_loop3A_208 = arith.constant 0 : index
        %parallel_loop3A_209 = tpu.vector_load %arg8[%parallel_loop3A_206, %parallel_loop3A_207, %parallel_loop3A_208] {strides = array<i32>} : memref<6x128x64xf32, #tpu.memory_space<vmem>>, vector<1x1x16xf32>,
        %parallel_loop3A_210 = vector.shape_cast %parallel_loop3A_209 : vector<1x1x16xf32> to vector<16xf32>
        %parallel_loop3A_211 = vector.shape_cast %parallel_loop3A_205 : vector<16xf32> to vector<1x1x16xf32>
        tpu.vector_store %arg8[%parallel_loop3A_206, %parallel_loop3A_207, %parallel_loop3A_208], %parallel_loop3A_211 {strides = array<i32>} : memref<6x128x64xf32, #tpu.memory_space<vmem>>, vector<1x1x16xf32>,
        %parallel_loop3A_212 = arith.index_cast %rem3A_153 : i32 to index
        %parallel_loop3A_213 = arith.index_cast %parallel_loop3A_194 : i32 to index
        %parallel_loop3A_214 = arith.constant 16 : index
        %parallel_loop3A_215 = tpu.vector_load %arg8[%parallel_loop3A_212, %parallel_loop3A_213, %parallel_loop3A_214] {strides = array<i32>} : memref<6x128x64xf32, #tpu.memory_space<vmem>>, vector<1x1x16xf32>,
        %parallel_loop3A_216 = vector.shape_cast %parallel_loop3A_215 : vector<1x1x16xf32> to vector<16xf32>
        %parallel_loop3A_217 = arith.addi %rem3A_174, %parallel_loop3A_194 : i32
        %parallel_loop3A_218 = arith.index_cast %parallel_loop3A_217 : i32 to index
        %parallel_loop3A_219 = arith.constant 16 : index
        %parallel_loop3A_220 = tpu.vector_load %arg7[%parallel_loop3A_218, %parallel_loop3A_219] {strides = array<i32>} : memref<320x64xf32, #tpu.memory_space<vmem>>, vector<1x16xf32>,
        %parallel_loop3A_221 = vector.shape_cast %parallel_loop3A_220 : vector<1x16xf32> to vector<16xf32>
        %parallel_loop3A_222 = arith.addf %parallel_loop3A_216, %parallel_loop3A_221 : vector<16xf32>
        %parallel_loop3A_223 = arith.index_cast %rem3A_153 : i32 to index
        %parallel_loop3A_224 = arith.index_cast %parallel_loop3A_194 : i32 to index
        %parallel_loop3A_225 = arith.constant 16 : index
        %parallel_loop3A_226 = tpu.vector_load %arg8[%parallel_loop3A_223, %parallel_loop3A_224, %parallel_loop3A_225] {strides = array<i32>} : memref<6x128x64xf32, #tpu.memory_space<vmem>>, vector<1x1x16xf32>,
        %parallel_loop3A_227 = vector.shape_cast %parallel_loop3A_226 : vector<1x1x16xf32> to vector<16xf32>
        %parallel_loop3A_228 = vector.shape_cast %parallel_loop3A_222 : vector<16xf32> to vector<1x1x16xf32>
        tpu.vector_store %arg8[%parallel_loop3A_223, %parallel_loop3A_224, %parallel_loop3A_225], %parallel_loop3A_228 {strides = array<i32>} : memref<6x128x64xf32, #tpu.memory_space<vmem>>, vector<1x1x16xf32>,
        %parallel_loop3A_229 = arith.index_cast %rem3A_153 : i32 to index
        %parallel_loop3A_230 = arith.index_cast %parallel_loop3A_194 : i32 to index
        %parallel_loop3A_231 = arith.constant 32 : index
        %parallel_loop3A_232 = tpu.vector_load %arg8[%parallel_loop3A_229, %parallel_loop3A_230, %parallel_loop3A_231] {strides = array<i32>} : memref<6x128x64xf32, #tpu.memory_space<vmem>>, vector<1x1x16xf32>,
        %parallel_loop3A_233 = vector.shape_cast %parallel_loop3A_232 : vector<1x1x16xf32> to vector<16xf32>
        %parallel_loop3A_234 = arith.addi %rem3A_174, %parallel_loop3A_194 : i32
        %parallel_loop3A_235 = arith.index_cast %parallel_loop3A_234 : i32 to index
        %parallel_loop3A_236 = arith.constant 32 : index
        %parallel_loop3A_237 = tpu.vector_load %arg7[%parallel_loop3A_235, %parallel_loop3A_236] {strides = array<i32>} : memref<320x64xf32, #tpu.memory_space<vmem>>, vector<1x16xf32>,
        %parallel_loop3A_238 = vector.shape_cast %parallel_loop3A_237 : vector<1x16xf32> to vector<16xf32>
        %parallel_loop3A_239 = arith.addf %parallel_loop3A_233, %parallel_loop3A_238 : vector<16xf32>
        %parallel_loop3A_240 = arith.index_cast %rem3A_153 : i32 to index
        %parallel_loop3A_241 = arith.index_cast %parallel_loop3A_194 : i32 to index
        %parallel_loop3A_242 = arith.constant 32 : index
        %parallel_loop3A_243 = tpu.vector_load %arg8[%parallel_loop3A_240, %parallel_loop3A_241, %parallel_loop3A_242] {strides = array<i32>} : memref<6x128x64xf32, #tpu.memory_space<vmem>>, vector<1x1x16xf32>,
        %parallel_loop3A_244 = vector.shape_cast %parallel_loop3A_243 : vector<1x1x16xf32> to vector<16xf32>
        %parallel_loop3A_245 = vector.shape_cast %parallel_loop3A_239 : vector<16xf32> to vector<1x1x16xf32>
        tpu.vector_store %arg8[%parallel_loop3A_240, %parallel_loop3A_241, %parallel_loop3A_242], %parallel_loop3A_245 {strides = array<i32>} : memref<6x128x64xf32, #tpu.memory_space<vmem>>, vector<1x1x16xf32>,
        %parallel_loop3A_246 = arith.index_cast %rem3A_153 : i32 to index
        %parallel_loop3A_247 = arith.index_cast %parallel_loop3A_194 : i32 to index
        %parallel_loop3A_248 = arith.constant 48 : index
        %parallel_loop3A_249 = tpu.vector_load %arg8[%parallel_loop3A_246, %parallel_loop3A_247, %parallel_loop3A_248] {strides = array<i32>} : memref<6x128x64xf32, #tpu.memory_space<vmem>>, vector<1x1x16xf32>,
        %parallel_loop3A_250 = vector.shape_cast %parallel_loop3A_249 : vector<1x1x16xf32> to vector<16xf32>
        %parallel_loop3A_251 = arith.addi %rem3A_174, %parallel_loop3A_194 : i32
        %parallel_loop3A_252 = arith.index_cast %parallel_loop3A_251 : i32 to index
        %parallel_loop3A_253 = arith.constant 48 : index
        %parallel_loop3A_254 = tpu.vector_load %arg7[%parallel_loop3A_252, %parallel_loop3A_253] {strides = array<i32>} : memref<320x64xf32, #tpu.memory_space<vmem>>, vector<1x16xf32>,
        %parallel_loop3A_255 = vector.shape_cast %parallel_loop3A_254 : vector<1x16xf32> to vector<16xf32>
        %parallel_loop3A_256 = arith.addf %parallel_loop3A_250, %parallel_loop3A_255 : vector<16xf32>
        %parallel_loop3A_257 = arith.index_cast %rem3A_153 : i32 to index
        %parallel_loop3A_258 = arith.index_cast %parallel_loop3A_194 : i32 to index
        %parallel_loop3A_259 = arith.constant 48 : index
        %parallel_loop3A_260 = tpu.vector_load %arg8[%parallel_loop3A_257, %parallel_loop3A_258, %parallel_loop3A_259] {strides = array<i32>} : memref<6x128x64xf32, #tpu.memory_space<vmem>>, vector<1x1x16xf32>,
        %parallel_loop3A_261 = vector.shape_cast %parallel_loop3A_260 : vector<1x1x16xf32> to vector<16xf32>
        %parallel_loop3A_262 = vector.shape_cast %parallel_loop3A_256 : vector<16xf32> to vector<1x1x16xf32>
        tpu.vector_store %arg8[%parallel_loop3A_257, %parallel_loop3A_258, %parallel_loop3A_259], %parallel_loop3A_262 {strides = array<i32>} : memref<6x128x64xf32, #tpu.memory_space<vmem>>, vector<1x1x16xf32>,
      } {sc.loop_unroll_factor = 8 : i64, sc.parallel_access}
      %mul3A_177 = arith.constant 128 : i32
      %mul3A_178 = arith.muli %scan3A_151, %mul3A_177 : i32
      %add3A_179 = arith.addi %mul3A_4, %mul3A_178 : i32
      %dma_start3A_180 = arith.constant 0 : i32
      %dma_start3A_181 = arith.constant 0 : i32
      %dma_start3A_182 = tpu.memref_slice %arg8[%rem3A_153, %dma_start3A_180, %dma_start3A_181] : memref<6x128x64xf32, #tpu.memory_space<vmem>> -> memref<1x128x64xf32, #tpu.memory_space<vmem>>
      %dma_start3A_183 = tpu.memref_squeeze %dma_start3A_182 : memref<1x128x64xf32, #tpu.memory_space<vmem>> -> memref<128x64xf32, #tpu.memory_space<vmem>>
      %dma_start3A_184 = arith.constant 0 : i32
      %dma_start3A_185 = tpu.memref_slice %arg5[%add3A_179, %dma_start3A_184] : memref<819200x64xf32, #tpu.memory_space<hbm>> -> memref<128x64xf32, #tpu.memory_space<hbm>>
      %dma_start3A_186 = tpu.memref_slice %arg10[%rem3A_153] : memref<6x!tpu.dma_semaphore, #tpu.memory_space<semaphore_mem>> -> memref<1x!tpu.dma_semaphore, #tpu.memory_space<semaphore_mem>>
      %dma_start3A_187 = tpu.memref_squeeze %dma_start3A_186 : memref<1x!tpu.dma_semaphore, #tpu.memory_space<semaphore_mem>> -> memref<!tpu.dma_semaphore, #tpu.memory_space<semaphore_mem>>
      %dma_start3A_188 = arith.constant 0 : i32
      %dma_start3A_189 = tpu.memref_slice %arg5[%add3A_179, %dma_start3A_188] : memref<819200x64xf32, #tpu.memory_space<hbm>> -> memref<128x64xf32, #tpu.memory_space<hbm>>
      %dma_start3A_190 = arith.constant 0 : i32
      %dma_start3A_191 = arith.constant 0 : i32
      %dma_start3A_192 = tpu.memref_slice %arg8[%rem3A_153, %dma_start3A_190, %dma_start3A_191] : memref<6x128x64xf32, #tpu.memory_space<vmem>> -> memref<1x128x64xf32, #tpu.memory_space<vmem>>
      %dma_start3A_193 = tpu.memref_squeeze %dma_start3A_192 : memref<1x128x64xf32, #tpu.memory_space<vmem>> -> memref<128x64xf32, #tpu.memory_space<vmem>>
      tpu.enqueue_dma source(%dma_start3A_193 : memref<128x64xf32, #tpu.memory_space<vmem>>) target(%dma_start3A_189 : memref<128x64xf32, #tpu.memory_space<hbm>>) target_semaphore(%dma_start3A_187 : memref<!tpu.dma_semaphore, #tpu.memory_space<semaphore_mem>>)
    }
    %scan3A_55 = arith.constant 200 : i32
    %dma_wait3A = arith.constant 0 : i32
    %dma_wait3A_56 = arith.constant 0 : i32
    %dma_wait3A_57 = arith.constant 0 : i32
    %dma_wait3A_58 = arith.constant 0 : i32
    %dma_wait3A_59 = tpu.memref_slice %arg8[%dma_wait3A, %dma_wait3A_57, %dma_wait3A_58] : memref<6x128x64xf32, #tpu.memory_space<vmem>> -> memref<1x128x64xf32, #tpu.memory_space<vmem>>
    %dma_wait3A_60 = tpu.memref_squeeze %dma_wait3A_59 : memref<1x128x64xf32, #tpu.memory_space<vmem>> -> memref<128x64xf32, #tpu.memory_space<vmem>>
    %dma_wait3A_61 = arith.constant 0 : i32
    %dma_wait3A_62 = tpu.memref_slice %arg5[%mul3A_4, %dma_wait3A_61] : memref<819200x64xf32, #tpu.memory_space<hbm>> -> memref<128x64xf32, #tpu.memory_space<hbm>>
    %dma_wait3A_63 = tpu.memref_slice %arg10[%dma_wait3A_56] : memref<6x!tpu.dma_semaphore, #tpu.memory_space<semaphore_mem>> -> memref<1x!tpu.dma_semaphore, #tpu.memory_space<semaphore_mem>>
    %dma_wait3A_64 = tpu.memref_squeeze %dma_wait3A_63 : memref<1x!tpu.dma_semaphore, #tpu.memory_space<semaphore_mem>> -> memref<!tpu.dma_semaphore, #tpu.memory_space<semaphore_mem>>
    %dma_wait3A_65 = arith.constant 0 : i32
    %dma_wait3A_66 = tpu.memref_slice %arg5[%mul3A_4, %dma_wait3A_65] : memref<819200x64xf32, #tpu.memory_space<hbm>> -> memref<128x64xf32, #tpu.memory_space<hbm>>
    %dma_wait3A_67 = arith.constant 0 : i32
    %dma_wait3A_68 = arith.constant 0 : i32
    %dma_wait3A_69 = tpu.memref_slice %arg8[%dma_wait3A, %dma_wait3A_67, %dma_wait3A_68] : memref<6x128x64xf32, #tpu.memory_space<vmem>> -> memref<1x128x64xf32, #tpu.memory_space<vmem>>
    %dma_wait3A_70 = tpu.memref_squeeze %dma_wait3A_69 : memref<1x128x64xf32, #tpu.memory_space<vmem>> -> memref<128x64xf32, #tpu.memory_space<vmem>>
    tpu.wait_dma2 semaphore(%dma_wait3A_64 : memref<!tpu.dma_semaphore, #tpu.memory_space<semaphore_mem>>) src(%dma_wait3A_70 : memref<128x64xf32, #tpu.memory_space<vmem>>) dst(%dma_wait3A_66 : memref<128x64xf32, #tpu.memory_space<hbm>>)
    %dma_wait3A_71 = arith.constant 1 : i32
    %dma_wait3A_72 = arith.constant 1 : i32
    %dma_wait3A_73 = arith.constant 0 : i32
    %dma_wait3A_74 = arith.constant 0 : i32
    %dma_wait3A_75 = tpu.memref_slice %arg8[%dma_wait3A_71, %dma_wait3A_73, %dma_wait3A_74] : memref<6x128x64xf32, #tpu.memory_space<vmem>> -> memref<1x128x64xf32, #tpu.memory_space<vmem>>
    %dma_wait3A_76 = tpu.memref_squeeze %dma_wait3A_75 : memref<1x128x64xf32, #tpu.memory_space<vmem>> -> memref<128x64xf32, #tpu.memory_space<vmem>>
    %dma_wait3A_77 = arith.constant 0 : i32
    %dma_wait3A_78 = tpu.memref_slice %arg5[%mul3A_4, %dma_wait3A_77] : memref<819200x64xf32, #tpu.memory_space<hbm>> -> memref<128x64xf32, #tpu.memory_space<hbm>>
    %dma_wait3A_79 = tpu.memref_slice %arg10[%dma_wait3A_72] : memref<6x!tpu.dma_semaphore, #tpu.memory_space<semaphore_mem>> -> memref<1x!tpu.dma_semaphore, #tpu.memory_space<semaphore_mem>>
    %dma_wait3A_80 = tpu.memref_squeeze %dma_wait3A_79 : memref<1x!tpu.dma_semaphore, #tpu.memory_space<semaphore_mem>> -> memref<!tpu.dma_semaphore, #tpu.memory_space<semaphore_mem>>
    %dma_wait3A_81 = arith.constant 0 : i32
    %dma_wait3A_82 = tpu.memref_slice %arg5[%mul3A_4, %dma_wait3A_81] : memref<819200x64xf32, #tpu.memory_space<hbm>> -> memref<128x64xf32, #tpu.memory_space<hbm>>
    %dma_wait3A_83 = arith.constant 0 : i32
    %dma_wait3A_84 = arith.constant 0 : i32
    %dma_wait3A_85 = tpu.memref_slice %arg8[%dma_wait3A_71, %dma_wait3A_83, %dma_wait3A_84] : memref<6x128x64xf32, #tpu.memory_space<vmem>> -> memref<1x128x64xf32, #tpu.memory_space<vmem>>
    %dma_wait3A_86 = tpu.memref_squeeze %dma_wait3A_85 : memref<1x128x64xf32, #tpu.memory_space<vmem>> -> memref<128x64xf32, #tpu.memory_space<vmem>>
    tpu.wait_dma2 semaphore(%dma_wait3A_80 : memref<!tpu.dma_semaphore, #tpu.memory_space<semaphore_mem>>) src(%dma_wait3A_86 : memref<128x64xf32, #tpu.memory_space<vmem>>) dst(%dma_wait3A_82 : memref<128x64xf32, #tpu.memory_space<hbm>>)
    %dma_wait3A_87 = arith.constant 2 : i32
    %dma_wait3A_88 = arith.constant 2 : i32
    %dma_wait3A_89 = arith.constant 0 : i32
    %dma_wait3A_90 = arith.constant 0 : i32
    %dma_wait3A_91 = tpu.memref_slice %arg8[%dma_wait3A_87, %dma_wait3A_89, %dma_wait3A_90] : memref<6x128x64xf32, #tpu.memory_space<vmem>> -> memref<1x128x64xf32, #tpu.memory_space<vmem>>
    %dma_wait3A_92 = tpu.memref_squeeze %dma_wait3A_91 : memref<1x128x64xf32, #tpu.memory_space<vmem>> -> memref<128x64xf32, #tpu.memory_space<vmem>>
    %dma_wait3A_93 = arith.constant 0 : i32
    %dma_wait3A_94 = tpu.memref_slice %arg5[%mul3A_4, %dma_wait3A_93] : memref<819200x64xf32, #tpu.memory_space<hbm>> -> memref<128x64xf32, #tpu.memory_space<hbm>>
    %dma_wait3A_95 = tpu.memref_slice %arg10[%dma_wait3A_88] : memref<6x!tpu.dma_semaphore, #tpu.memory_space<semaphore_mem>> -> memref<1x!tpu.dma_semaphore, #tpu.memory_space<semaphore_mem>>
    %dma_wait3A_96 = tpu.memref_squeeze %dma_wait3A_95 : memref<1x!tpu.dma_semaphore, #tpu.memory_space<semaphore_mem>> -> memref<!tpu.dma_semaphore, #tpu.memory_space<semaphore_mem>>
    %dma_wait3A_97 = arith.constant 0 : i32
    %dma_wait3A_98 = tpu.memref_slice %arg5[%mul3A_4, %dma_wait3A_97] : memref<819200x64xf32, #tpu.memory_space<hbm>> -> memref<128x64xf32, #tpu.memory_space<hbm>>
    %dma_wait3A_99 = arith.constant 0 : i32
    %dma_wait3A_100 = arith.constant 0 : i32
    %dma_wait3A_101 = tpu.memref_slice %arg8[%dma_wait3A_87, %dma_wait3A_99, %dma_wait3A_100] : memref<6x128x64xf32, #tpu.memory_space<vmem>> -> memref<1x128x64xf32, #tpu.memory_space<vmem>>
    %dma_wait3A_102 = tpu.memref_squeeze %dma_wait3A_101 : memref<1x128x64xf32, #tpu.memory_space<vmem>> -> memref<128x64xf32, #tpu.memory_space<vmem>>
    tpu.wait_dma2 semaphore(%dma_wait3A_96 : memref<!tpu.dma_semaphore, #tpu.memory_space<semaphore_mem>>) src(%dma_wait3A_102 : memref<128x64xf32, #tpu.memory_space<vmem>>) dst(%dma_wait3A_98 : memref<128x64xf32, #tpu.memory_space<hbm>>)
    %dma_wait3A_103 = arith.constant 3 : i32
    %dma_wait3A_104 = arith.constant 3 : i32
    %dma_wait3A_105 = arith.constant 0 : i32
    %dma_wait3A_106 = arith.constant 0 : i32
    %dma_wait3A_107 = tpu.memref_slice %arg8[%dma_wait3A_103, %dma_wait3A_105, %dma_wait3A_106] : memref<6x128x64xf32, #tpu.memory_space<vmem>> -> memref<1x128x64xf32, #tpu.memory_space<vmem>>
    %dma_wait3A_108 = tpu.memref_squeeze %dma_wait3A_107 : memref<1x128x64xf32, #tpu.memory_space<vmem>> -> memref<128x64xf32, #tpu.memory_space<vmem>>
    %dma_wait3A_109 = arith.constant 0 : i32
    %dma_wait3A_110 = tpu.memref_slice %arg5[%mul3A_4, %dma_wait3A_109] : memref<819200x64xf32, #tpu.memory_space<hbm>> -> memref<128x64xf32, #tpu.memory_space<hbm>>
    %dma_wait3A_111 = tpu.memref_slice %arg10[%dma_wait3A_104] : memref<6x!tpu.dma_semaphore, #tpu.memory_space<semaphore_mem>> -> memref<1x!tpu.dma_semaphore, #tpu.memory_space<semaphore_mem>>
    %dma_wait3A_112 = tpu.memref_squeeze %dma_wait3A_111 : memref<1x!tpu.dma_semaphore, #tpu.memory_space<semaphore_mem>> -> memref<!tpu.dma_semaphore, #tpu.memory_space<semaphore_mem>>
    %dma_wait3A_113 = arith.constant 0 : i32
    %dma_wait3A_114 = tpu.memref_slice %arg5[%mul3A_4, %dma_wait3A_113] : memref<819200x64xf32, #tpu.memory_space<hbm>> -> memref<128x64xf32, #tpu.memory_space<hbm>>
    %dma_wait3A_115 = arith.constant 0 : i32
    %dma_wait3A_116 = arith.constant 0 : i32
    %dma_wait3A_117 = tpu.memref_slice %arg8[%dma_wait3A_103, %dma_wait3A_115, %dma_wait3A_116] : memref<6x128x64xf32, #tpu.memory_space<vmem>> -> memref<1x128x64xf32, #tpu.memory_space<vmem>>
    %dma_wait3A_118 = tpu.memref_squeeze %dma_wait3A_117 : memref<1x128x64xf32, #tpu.memory_space<vmem>> -> memref<128x64xf32, #tpu.memory_space<vmem>>
    tpu.wait_dma2 semaphore(%dma_wait3A_112 : memref<!tpu.dma_semaphore, #tpu.memory_space<semaphore_mem>>) src(%dma_wait3A_118 : memref<128x64xf32, #tpu.memory_space<vmem>>) dst(%dma_wait3A_114 : memref<128x64xf32, #tpu.memory_space<hbm>>)
    %dma_wait3A_119 = arith.constant 4 : i32
    %dma_wait3A_120 = arith.constant 4 : i32
    %dma_wait3A_121 = arith.constant 0 : i32
    %dma_wait3A_122 = arith.constant 0 : i32
    %dma_wait3A_123 = tpu.memref_slice %arg8[%dma_wait3A_119, %dma_wait3A_121, %dma_wait3A_122] : memref<6x128x64xf32, #tpu.memory_space<vmem>> -> memref<1x128x64xf32, #tpu.memory_space<vmem>>
    %dma_wait3A_124 = tpu.memref_squeeze %dma_wait3A_123 : memref<1x128x64xf32, #tpu.memory_space<vmem>> -> memref<128x64xf32, #tpu.memory_space<vmem>>
    %dma_wait3A_125 = arith.constant 0 : i32
    %dma_wait3A_126 = tpu.memref_slice %arg5[%mul3A_4, %dma_wait3A_125] : memref<819200x64xf32, #tpu.memory_space<hbm>> -> memref<128x64xf32, #tpu.memory_space<hbm>>
    %dma_wait3A_127 = tpu.memref_slice %arg10[%dma_wait3A_120] : memref<6x!tpu.dma_semaphore, #tpu.memory_space<semaphore_mem>> -> memref<1x!tpu.dma_semaphore, #tpu.memory_space<semaphore_mem>>
    %dma_wait3A_128 = tpu.memref_squeeze %dma_wait3A_127 : memref<1x!tpu.dma_semaphore, #tpu.memory_space<semaphore_mem>> -> memref<!tpu.dma_semaphore, #tpu.memory_space<semaphore_mem>>
    %dma_wait3A_129 = arith.constant 0 : i32
    %dma_wait3A_130 = tpu.memref_slice %arg5[%mul3A_4, %dma_wait3A_129] : memref<819200x64xf32, #tpu.memory_space<hbm>> -> memref<128x64xf32, #tpu.memory_space<hbm>>
    %dma_wait3A_131 = arith.constant 0 : i32
    %dma_wait3A_132 = arith.constant 0 : i32
    %dma_wait3A_133 = tpu.memref_slice %arg8[%dma_wait3A_119, %dma_wait3A_131, %dma_wait3A_132] : memref<6x128x64xf32, #tpu.memory_space<vmem>> -> memref<1x128x64xf32, #tpu.memory_space<vmem>>
    %dma_wait3A_134 = tpu.memref_squeeze %dma_wait3A_133 : memref<1x128x64xf32, #tpu.memory_space<vmem>> -> memref<128x64xf32, #tpu.memory_space<vmem>>
    tpu.wait_dma2 semaphore(%dma_wait3A_128 : memref<!tpu.dma_semaphore, #tpu.memory_space<semaphore_mem>>) src(%dma_wait3A_134 : memref<128x64xf32, #tpu.memory_space<vmem>>) dst(%dma_wait3A_130 : memref<128x64xf32, #tpu.memory_space<hbm>>)
    %dma_wait3A_135 = arith.constant 5 : i32
    %dma_wait3A_136 = arith.constant 5 : i32
    %dma_wait3A_137 = arith.constant 0 : i32
    %dma_wait3A_138 = arith.constant 0 : i32
    %dma_wait3A_139 = tpu.memref_slice %arg8[%dma_wait3A_135, %dma_wait3A_137, %dma_wait3A_138] : memref<6x128x64xf32, #tpu.memory_space<vmem>> -> memref<1x128x64xf32, #tpu.memory_space<vmem>>
    %dma_wait3A_140 = tpu.memref_squeeze %dma_wait3A_139 : memref<1x128x64xf32, #tpu.memory_space<vmem>> -> memref<128x64xf32, #tpu.memory_space<vmem>>
    %dma_wait3A_141 = arith.constant 0 : i32
    %dma_wait3A_142 = tpu.memref_slice %arg5[%mul3A_4, %dma_wait3A_141] : memref<819200x64xf32, #tpu.memory_space<hbm>> -> memref<128x64xf32, #tpu.memory_space<hbm>>
    %dma_wait3A_143 = tpu.memref_slice %arg10[%dma_wait3A_136] : memref<6x!tpu.dma_semaphore, #tpu.memory_space<semaphore_mem>> -> memref<1x!tpu.dma_semaphore, #tpu.memory_space<semaphore_mem>>
    %dma_wait3A_144 = tpu.memref_squeeze %dma_wait3A_143 : memref<1x!tpu.dma_semaphore, #tpu.memory_space<semaphore_mem>> -> memref<!tpu.dma_semaphore, #tpu.memory_space<semaphore_mem>>
    %dma_wait3A_145 = arith.constant 0 : i32
    %dma_wait3A_146 = tpu.memref_slice %arg5[%mul3A_4, %dma_wait3A_145] : memref<819200x64xf32, #tpu.memory_space<hbm>> -> memref<128x64xf32, #tpu.memory_space<hbm>>
    %dma_wait3A_147 = arith.constant 0 : i32
    %dma_wait3A_148 = arith.constant 0 : i32
    %dma_wait3A_149 = tpu.memref_slice %arg8[%dma_wait3A_135, %dma_wait3A_147, %dma_wait3A_148] : memref<6x128x64xf32, #tpu.memory_space<vmem>> -> memref<1x128x64xf32, #tpu.memory_space<vmem>>
    %dma_wait3A_150 = tpu.memref_squeeze %dma_wait3A_149 : memref<1x128x64xf32, #tpu.memory_space<vmem>> -> memref<128x64xf32, #tpu.memory_space<vmem>>
    tpu.wait_dma2 semaphore(%dma_wait3A_144 : memref<!tpu.dma_semaphore, #tpu.memory_space<semaphore_mem>>) src(%dma_wait3A_150 : memref<128x64xf32, #tpu.memory_space<vmem>>) dst(%dma_wait3A_146 : memref<128x64xf32, #tpu.memory_space<hbm>>)
    return
  }
}

</mosaic_0001>

<sc_bundles>
// kernel: kernel.3.cloned.1.call-start
scs
__scs_entry_jumppad:
0x0: {  	(pc) =	sbr.rel $0x88, $3  }
0x1: {  	(tag) =	ssettag $0x0;
	lr =	simm.s32 $0x1  }
0x2: {  	[smem:$0x3F9E] =	sst lr;
	_ =	strace $0xD0000000  }
0x3: {  	_ = 	snop  }
0x4: {  	_ = 	snop  }
0x5: {  	_ = 	snop  }
0x6: {  	_ = 	snop  }
0x7: {  	_ = 	snop  }
__scs_overlays_trampoline_lowered:
0x8: {  	[smem:$0x3FAD] =	sst s0  }
0x9: {  	[smem:$0x3FAE] =	sst s1  }
0xa: {  	[smem:$0x3FAF] =	sst s2  }
0xb: {  	[smem:$0x3FB0] =	sst s3  }
0xc: {  	[smem:$0x3FB1] =	sst s4  }
0xd: {  	[smem:$0x3FB2] =	sst s5  }
0xe: {  	[smem:$0x3FB3] =	sst s6  }
0xf: {  	[smem:$0x3FB4] =	sst s7  }
0x10: {  	[smem:$0x3FB5] =	sst s8  }
0x11: {  	[smem:$0x3FB6] =	sst s9;
	s0 =	simm.s32 @!p0 $0x0  }
0x12: {  	s1 =	sld [smem:$0x3F9C];
	s0 =	simm.s32 @p0 $0x1  }
0x13: {  	[smem:$0x3FB7] =	sst s0;
	s0 =	simm.s32 @!p1 $0x0  }
0x14: {  	s2 =	sld [smem:$0x3F9B];
	s0 =	simm.s32 @p1 $0x1  }
0x15: {  	[smem:$0x3FB8] =	sst s0;
	s0 =	simm.s32 @!p2 $0x0  }
0x16: {  	s3 =	sld [smem:$0x3FDB];
	s0 =	simm.s32 @p2 $0x1  }
0x17: {  	s4 =	simm.s32 $0x1BF5;
	[smem:$0x3FBA] =	sst s0  }
0x18: {  	s0 =	sld [smem:$0x3F9D];
	_ =	swait.ge [sflag:s4], $0x0  }
0x19: {  	s7 =	sld [smem:$0x3F9E]  }
0x1a: {  	s8 =	sadd.s32 $0xFFFFE003, lr  }
0x1b: {  	s9 =	sadd.s32 $0xFFFFFEF7, lr;
	s5 =	simm.s32 $0xFFFFFFFF;
	p2 =	slt.u32 s8, $0xFFFFF086  }
0x1c: {  	p1 =	slt.u32 s9, $0xF7A;
	s5 =	simm.s32 @!p2 $0x0  }
0x1d: {  	s5 =	simm.s32 @p1 $0x1;
	p0 =	seq.s32 s7, s2  }
0x1e: {  	s7 =	smul.u32 @!p0 $0xF7A, s2;
	p2 =	seq.s32 @!p0 s5, $0x0  }
0x1f: {  	s9 =	smul.u32 $0xF7A, s1;
	s8 =	simm.s32 @!p0 $0x1BF5;
	p2 =	por !p2, p0  }
0x20: {  	[sflag:s8] =	ssyncset.s32 @!p0 $0xFFFFF086;
	s6 =	sadd.s32 @!p0 s3, s7;
	s7 =	simm.s32 @!p0 $0x108  }
0x21: {  	s3 =	sadd.s32 s3, s9;
	s6 =	sadd.s32 @!p0 $0x88, s6;
	s7 =	simm.s32 @p2 $0x1082  }
0x22: {  	[simem:s7], [sflag:s8] =	dma.local @!p0 [hbm:s6], $0xF7A  }
0x23: {  	s9 =	sor.u32 $0xD0000000, s2;
	s6 =	simm.s32 $0x108;
	_ =	swait.ge @!p0 [sflag:s8], $0x0  }
0x24: {  	s3 =	sadd.s32 $0x88, s3;
	s6 =	simm.s32 @!p1 $0x1082;
	[sflag:s4] =	ssyncset.s32 $0xFFFFF086  }
0x25: {  	[simem:s6], [sflag:s4] =	dma.local [hbm:s3], $0xF7A  }
0x26: {  	[smem:$0x3F9E] =	sst s1;
	(tag) =	ssettag s2;
	_ =	strace s9  }
0x27: {  	s1 =	sld [smem:$0x3FAE]  }
0x28: {  	s2 =	sld [smem:$0x3FAF]  }
0x29: {  	s4 =	sld [smem:$0x3FB1]  }
0x2a: {  	p0 =	seq.s32 s5, $0x0;
	s5 =	sld [smem:$0x3FB2]  }
0x2b: {  	s6 =	sld [smem:$0x3FB3]  }
0x2c: {  	s7 =	sld [smem:$0x3FB4]  }
0x2d: {  	s3 =	simm.s32 $0x108;
	s8 =	sld [smem:$0x3FB5]  }
0x2e: {  	s3 =	simm.s32 @!p0 $0x1082;
	s9 =	sld [smem:$0x3FB6]  }
0x2f: {  	lr =	sadd.s32 s0, s3;
	s0 =	sld [smem:$0x3FAD]  }
0x30: {  	s3 =	sld [smem:$0x3FB0]  }
0x31: {  	[smem:$0x3FB9] =	sst s10  }
0x32: {  	s10 =	sld [smem:$0x3FB7];
	_ =	sdelay $0x3  }
0x33: {  	p0 =	seq.s32 s10, $0x1;
	s10 =	sld [smem:$0x3FB9];
	_ =	sdelay $0x3  }
0x34: {  	[smem:$0x3FB9] =	sst s10  }
0x35: {  	s10 =	sld [smem:$0x3FB8];
	_ =	sdelay $0x3  }
0x36: {  	p1 =	seq.s32 s10, $0x1;
	s10 =	sld [smem:$0x3FB9];
	_ =	sdelay $0x3  }
0x37: {  	[smem:$0x3FB9] =	sst s10  }
0x38: {  	s10 =	sld [smem:$0x3FBA]  }
0x39: {  	_ = 	snop;
	(pc) =	sbr.ind lr, $3  }
0x3a: {  	_ = 	snop  }
0x3b: {  	_ = 	snop  }
0x3c: {  	p2 =	seq.s32 s10, $0x1;
	s10 =	sld [smem:$0x3FB9]  }
0x3d: {  	_ =	shalt  }
0x3e: {  	_ =	shalt  }
0x3f: {  	_ =	shalt  }
0x40: {  	_ =	shalt  }
0x41: {  	_ =	shalt  }
0x42: {  	_ =	shalt  }
0x43: {  	_ =	shalt  }
0x44: {  	_ =	shalt  }
0x45: {  	_ =	shalt  }
0x46: {  	_ =	shalt  }
0x47: {  	_ =	shalt  }
0x48: {  	_ =	shalt  }
0x49: {  	_ =	shalt  }
0x4a: {  	_ =	shalt  }
0x4b: {  	_ =	shalt  }
0x4c: {  	_ =	shalt  }
0x4d: {  	_ =	shalt  }
0x4e: {  	_ =	shalt  }
0x4f: {  	_ =	shalt  }
0x50: {  	_ =	shalt  }
0x51: {  	_ =	shalt  }
0x52: {  	_ =	shalt  }
0x53: {  	_ =	shalt  }
0x54: {  	_ =	shalt  }
0x55: {  	_ =	shalt  }
0x56: {  	_ =	shalt  }
0x57: {  	_ =	shalt  }
0x58: {  	_ =	shalt  }
0x59: {  	_ =	shalt  }
0x5a: {  	_ =	shalt  }
0x5b: {  	_ =	shalt  }
0x5c: {  	_ =	shalt  }
0x5d: {  	_ =	shalt  }
0x5e: {  	_ =	shalt  }
0x5f: {  	_ =	shalt  }
0x60: {  	_ =	shalt  }
0x61: {  	_ =	shalt  }
0x62: {  	_ =	shalt  }
0x63: {  	_ =	shalt  }
0x64: {  	_ =	shalt  }
0x65: {  	_ =	shalt  }
0x66: {  	_ =	shalt  }
0x67: {  	_ =	shalt  }
0x68: {  	_ =	shalt  }
0x69: {  	_ =	shalt  }
0x6a: {  	_ =	shalt  }
0x6b: {  	_ =	shalt  }
0x6c: {  	_ =	shalt  }
0x6d: {  	_ =	shalt  }
0x6e: {  	_ =	shalt  }
0x6f: {  	_ =	shalt  }
0x70: {  	_ =	shalt  }
0x71: {  	_ =	shalt  }
0x72: {  	_ =	shalt  }
0x73: {  	_ =	shalt  }
0x74: {  	_ =	shalt  }
0x75: {  	_ =	shalt  }
0x76: {  	_ =	shalt  }
0x77: {  	_ =	shalt  }
0x78: {  	_ =	shalt  }
0x79: {  	_ =	shalt  }
0x7a: {  	_ =	shalt  }
0x7b: {  	_ =	shalt  }
0x7c: {  	_ =	shalt  }
0x7d: {  	_ =	shalt  }
0x7e: {  	_ =	shalt  }
0x7f: {  	_ =	shalt  }
0x80: {  	_ =	shalt  }
0x81: {  	_ =	shalt  }
0x82: {  	_ =	shalt  }
0x83: {  	_ =	shalt  }
0x84: {  	_ =	shalt  }
0x85: {  	_ =	shalt  }
0x86: {  	_ =	shalt  }
0x87: {  	_ =	shalt  }
.Lfunc_end0:
.L_simem_size_0:
called_computation.1_lowered:
.L_overlay_start_0:
0x88: {  	s2 =	sld [smem:$0x3FD9]  }
0x89: {  	s3 =	sld [smem:$0x3FFE];
	_ =	sdelay $0x1  }
0x8a: {  	s1 =	srdreg.scid  }
0x8b: {  	s0 =	sand.u32 $0x1, s1  }
0x8c: {  	s17 =	sshll.u32 s0, $0xA;
	s2 =	sadd.s32 s3, s2  }
0x8d: {  	s2 =	sadd.s32 s2, s17  }
0x8e: {  	[smem:$0x3FC5] =	sst s2  }
0x8f: {  	_ = 	snop  }
0x90: {  	s2 =	sld [smem:$0x3FD0];
	(tm) =	ssettm $0x1  }
0x91: {  	s18 =	sld [smem:$0x3FFB];
	_ =	sdelay $0x3  }
0x92: {  	_ =	strace s18  }
0x93: {  	s3 =	sld [smem:$0x3FFC];
	_ =	sdelay $0x3  }
0x94: {  	_ =	strace s3  }
0x95: {  	s3 =	sld [smem:$0x3FFD];
	_ =	sdelay $0x3  }
0x96: {  	_ =	strace s3  }
0x97: {  	_ =	strace $0x8FFFFFFF  }
0x98: {  	s19 =	sld [smem:$0x3FDB];
	_ =	sdelay $0x1  }
0x99: {  	s4 =	simm.s32 $_scs_section_size  }
0x9a: {  	s5 =	simm.s32 $_size__tile_overlayer_lowered;
	s6 =	simm.s32 $_tile_overlayer_lowered  }
0x9b: {  	s22 =	simm.s32 $0x1BFF;
	s21 =	sshll.u32 s6, $0x1;
	s3 =	sadd.s32 s4, s19  }
0x9c: {  	s7 =	simm.s32 $0x0;
	s20 =	sshll.u32 s5, $0x1;
	s5 =	sadd.s32 s21, s3  }
0x9d: {  	[timem:s7], [sflag:s22] =	dma.local [hbm:s5], s20  }
0x9e: {  	_ =	swait.ge [sflag:s22], s20  }
0x9f: {  	s4 =	ssub.s32 $0x0, s20;
	[sflag:s22] =	ssyncset.done $0x0  }
0xa0: {  	[sflag:s22] =	ssyncadd.s32 s4;
	_ =	sdelay $0x1  }
0xa1: {  	s23 =	simm.s32 $0x1B8B  }
0xa2: {  	_ =	swait.ge [sflag:s23], $0x1  }
0xa3: {  	[sflag:s23] =	ssyncset.done $0x0  }
0xa4: {  	s25 =	simm.s32 $0x1B8E;
	s24 =	sld [smem:$0x3FFE];
	[sflag:s23] =	ssyncadd.s32 $0xFFFFFFFF  }
0xa5: {  	s26 =	simm.s32 $execute0_lowered;
	[smem:$0x3FD2] =	sst s25  }
0xa6: {  	s5 =	sshll.u32 s26, $0x1;
	_ =	strace $0x80000046;
	[dreg:$0x1] =	wrdreg $0xFFFFFFFF  }
0xa7: {  	s28 =	simm.s32 $_size_execute0_lowered;
	s3 =	sadd.s32 s3, s5;
	[dreg:$0x0] =	wrdreg $0x0  }
0xa8: {  	s5 =	sshll.u32 s28, $0x1;
	[dreg:$0x2] =	wrdreg s3  }
0xa9: {  	[dreg:$0x3] =	wrdreg s5  }
0xaa: {  	[dreg:$0x4] =	wrdreg $0xC0  }
0xab: {  	_ =	task [dreg:s7], $0x5FFFF  }
0xac: {  	[dreg:$0x1] =	wrdreg $0xFFFFFFFF  }
0xad: {  	[dreg:$0x0] =	wrdreg $0x60  }
0xae: {  	[dreg:$0x2] =	wrdreg s24  }
0xaf: {  	[dreg:$0x3] =	wrdreg s2  }
0xb0: {  	[dreg:$0x4] =	wrdreg $0x9  }
0xb1: {  	_ =	task.clear_ibuf [dreg:s7], $0x5FFFF;
	_ =	strace $0x90000046  }
0xb2: {  	s29 =	simm.s32 $0x9;
	_ =	strace $0x80000048  }
0xb3: {  	_ =	swait.ge [sflag:s29], $0x1  }
0xb4: {  	[sflag:s29] =	ssyncadd.s32 $0xFFFFFFFF  }
0xb5: {  	_ =	strace $0x90000048  }
0xb6: {  	_ =	sfence  }
0xb7: {  	s30 =	sld [smem:$0x0];
	_ =	sdelay $0x2  }
0xb8: {  	s31 =	sshll.u32 s1, $0xD;
	s1 =	sshrl.u32 s1, $0x2  }
0xb9: {  	s3 =	sand.u32 $0x4000, s31;
	s1 =	sadd.s32 s1, s30  }
0xba: {  	s0 =	sor.u32 s3, s0;
	s1 =	sshll.u32 s1, $0x11  }
0xbb: {  	s0 =	sor.u32 s1, s0  }
0xbc: {  	s0 =	sadd.s32 $0x8F2B, s0  }
0xbd: {  	[sflag:s0] =	ssyncadd.remote.s32 $0x1  }
0xbe: {  	_ =	sfence.sel $0xFFFF  }
0xbf: {  	[dreg:$0x0] =	wrdreg $0xFFFFFFFF;
	(pc) =	sbr.abs _section_cstart, $3  }
0xc0: {  	[dreg:$0x1] =	wrdreg $0xFFFFFFFF  }
0xc1: {  	_ =	task.clear_ibuf [dreg:s7], $0x2FFFF;
	_ =	strace $0x9FFFFFFF  }
0xc2: {  	(tm) =	ssettm $0x7FFFFFFF  }
0xc3: {  	_ =	shalt  }
tec
execute0_lowered:
.L_overlay_start_1:
0x0: {  	(tag) =	ssettag $0x1  }
0x1: {  	s0 =	srdreg.scid  }
0x2: {  	s2 =	stileid.u32;
	s1 =	rddreg [dreg:$0x0]  }
0x3: {  	s9 =	simm.s32 $0xD;
	s12 =	simm.s32 $0x80;
	s13 =	simm.s32 $0xB400  }
0x4: {  	s14 =	simm.s32 $0xD400;
	s15 =	simm.s32 $0x100;
	s16 =	simm.s32 $0xF400  }
0x5: {  	s17 =	simm.s32 $0x7;
	s18 =	simm.s32 $0x8;
	s19 =	simm.s32 $0x9  }
0x6: {  	s20 =	simm.s32 $0xA;
	s21 =	simm.s32 $0xB;
	s22 =	simm.s32 $0xC  }
0x7: {  	s23 =	simm.s32 $0x0;
	s0 =	sand.u32 $0x1, s0;
	s3 =	sshll.u32 s2, $0x1  }
0x8: {  	s2 =	rddreg [dreg:$0x1];
	s5 =	sadd.s32 $0x19C00, s1;
	s6 =	sor.u32 s0, s3  }
0x9: {  	s3 =	simm.s32 $0x0;
	s0 =	ssub.s32 $0x2, s0;
	s4 =	smul.u32 $0xC80, s6  }
0xa: {  	[smem:$0x7FF] =	sst s3;
	s8 =	sshrl.u32 s0, $0x1;
	s6 =	smul.u32 $0x6400, s6  }
0xb: {  	_ =	strace $0x80000047;
	s0 =	ssub.s32 s0, s8;
	s7 =	sadd.s32 s4, s1  }
0xc: {  	s4 =	sadd.s32 $0xF43000, s1;
	s8 =	smax.u32 s0, $0x1;
	s7 =	sadd.s32 $0xC00, s7  }
.LBB2_1:
0xd: {  	[tilespmem:s3], [sflag:$0xD] =	stream.linear.gather [hbm4b:s7+s3], $0x6400, $0x38;
	[tilespmem:$0x17400] =	vst v63  }
0xe: {  	_ =	swait.ge [sflag:s9], $0x6400  }
0xf: {  	[sflag:s9] =	ssyncset.done $0x0  }
0x10: {  	s0 =	simm.s32 $0x6400;
	[sflag:s9] =	ssyncadd.s32 $0xFFFF9C00  }
0x11: {  	[tilespmem:s0], [sflag:$0xD] =	stream.linear.gather [hbm4b:s5+s3], $0x3200, $0x38;
	[tilespmem:$0x17400] =	vst v63  }
0x12: {  	_ =	swait.ge [sflag:s9], $0x3200  }
0x13: {  	[sflag:s9] =	ssyncset.done $0x0  }
0x14: {  	s31 =	simm.s32 $0x9600;
	[sflag:s9] =	ssyncadd.s32 $0xFFFFCE00  }
0x15: {  	[tilespmem:s31], [sflag:$0xD] =	stream.linear.gather [hbm4b:s5+s3], $0x1E00, $0x38;
	[tilespmem:$0x17400] =	vst v63  }
0x16: {  	_ =	swait.ge [sflag:s9], $0x1E00  }
0x17: {  	[sflag:s9] =	ssyncset.done $0x0  }
0x18: {  	[sflag:s9] =	ssyncadd.s32 $0xFFFFE200  }
0x19: {  	[tilespmem:s13], [sflag:$0x1] =	stream.indirect.gather [hbm4b:s4+s12], $0x40, s3, s12, $0xb8;
	[tilespmem:$0x17400] =	vst v63  }
0x1a: {  	_ = 	snop  }
0x1b: {  	[tilespmem:s14], [sflag:$0x2] =	stream.indirect.gather [hbm4b:s4+s12], $0x40, s12, s12, $0xb8;
	[tilespmem:$0x17400] =	vst v63  }
0x1c: {  	s24 =	simm.s32 $0x0;
	s25 =	simm.s32 $0x0;
	s26 =	simm.s32 $0x0  }
0x1d: {  	[tilespmem:s16], [sflag:$0x3] =	stream.indirect.gather [hbm4b:s4+s12], $0x40, s15, s12, $0xb8;
	[tilespmem:$0x17400] =	vst v63  }
.LBB2_2:
0x1e: {  	p0 =	sgt.u32 s26, $0xC4  }
0x1f: {  	p2 =	slt.u32 @!p0 s26, $0x3  }
0x20: {  	s0 =	smulhi.u32 $0xAAAAAAAB, s26;
	s29 =	sadd.s32 $0x3, s26;
	p1 =	por p2, p0  }
0x21: {  	s28 =	smul.u32 @!p1 $0xAB, s29  }
0x22: {  	s1 =	smulhi.u32 $0x51EB851F, s24  }
0x23: {  	s30 =	smul.u32 $0xAB, s26;
	s0 =	sshrl.u32 s0, $0x2;
	s28 =	sshrl.u32 @!p1 s28, $0xA  }
0x24: {  	s0 =	smul.u32 $0xFFFD0000, s0;
	s28 =	sand.u32 @!p1 $0x3F, s28  }
0x25: {  	s1 =	sshrl.u32 s1, $0x6;
	s30 =	sshrl.u32 s30, $0xA;
	s28 =	smul.u32 @!p1 $0x6, s28  }
0x26: {  	s31 =	sshll.u32 @!p0 s29, $0x7;
	s1 =	smul.u32 $0xFFFF3800, s1;
	s30 =	sand.u32 $0x3F, s30  }
0x27: {  	p2 =	por !p2, p0;
	s30 =	smul.u32 $0x6, s30;
	s28 =	ssub.s32 @!p1 s29, s28  }
0x28: {  	s0 =	sshra.s32 s0, $0x2;
	s1 =	sshra.s32 s1, $0x2;
	s28 =	sand.u32 @!p1 $0xFF, s28  }
0x29: {  	s0 =	sadd.s32 $0xB400, s0;
	s1 =	sadd.s32 $0x6400, s1;
	s10 =	sadd.s32 @!p1 $0x7, s28  }
0x2a: {  	s30 =	ssub.s32 s26, s30;
	s29 =	smov.u32 @p2 s28;
	_ =	swait.ge @!p1 [sflag:s10], $0x2000  }
0x2b: {  	s28 =	sshll.u32 @!p0 s29, $0xD;
	s29 =	sadd.s32 @!p0 $0x1, s29;
	[sflag:s10] =	ssyncset.done @!p1 $0x0  }
0x2c: {  	s11 =	sand.u32 @!p0 $0x3FFFE000, s28;
	s28 =	sand.u32 $0xFF, s30;
	s30 =	simm.s32 @!p0 $0x80  }
0x2d: {  	[sflag:s10] =	ssyncadd.s32 @!p1 $0xFFFFE000;
	s10 =	sadd.s32 @!p0 $0xB400, s11;
	s11 =	sand.u32 @!p0 $0x3FFFFF80, s31  }
0x2e: {  	v0 =	vmov s0;
	[tilespmem:s10], [sflag:s29] =	stream.indirect.gather @!p0 [hbm4b:s4+s30], $0x40, s11, s30, $0xb8;
	[tilespmem:$0x17400] =	vst v63  }
0x2f: {  	v1 =	vmov s1;
	s10 =	sadd.s32 $0x1, s28  }
0x30: {  	_ =	swait.ge [sflag:s10], $0x2000  }
0x31: {  	[sflag:s10] =	ssyncset.done $0x0  }
0x32: {  	s29 =	sshra.s32 s25, $0x2;
	[sflag:s10] =	ssyncadd.s32 $0xFFFFE000  }
0x33: {  	v2 =	vld.idx.msk [tilespmem:v0+s29+$0x1C0 ss:$0x1], $0xffff  }
0x34: {  	v3 =	vld.idx.msk [tilespmem:v1+s29+$0x1C0 ss:$0x1], $0xffff  }
0x35: {  	v4 =	vld.idx.msk [tilespmem:v0+s29+$0x0 ss:$0x1], $0xffff  }
0x36: {  	v5 =	vld.idx.msk [tilespmem:v1+s29+$0x0 ss:$0x1], $0xffff  }
0x37: {  	v6 =	vld.idx.msk [tilespmem:v0+s29+$0x40 ss:$0x1], $0xffff  }
0x38: {  	v7 =	vld.idx.msk [tilespmem:v1+s29+$0x40 ss:$0x1], $0xffff  }
0x39: {  	v8 =	vld.idx.msk [tilespmem:v0+s29+$0x80 ss:$0x1], $0xffff  }
0x3a: {  	v9 =	vld.idx.msk [tilespmem:v1+s29+$0x80 ss:$0x1], $0xffff  }
0x3b: {  	v10 =	vld.idx.msk [tilespmem:v1+s29+$0xC0 ss:$0x1], $0xffff  }
0x3c: {  	v12 =	vld.idx.msk [tilespmem:v0+s29+$0x100 ss:$0x1], $0xffff  }
0x3d: {  	v13 =	vld.idx.msk [tilespmem:v1+s29+$0x100 ss:$0x1], $0xffff  }
0x3e: {  	v14 =	vld.idx.msk [tilespmem:v0+s29+$0x140 ss:$0x1], $0xffff  }
0x3f: {  	v15 =	vld.idx.msk [tilespmem:v0+s29+$0x180 ss:$0x1], $0xffff;
	v2 =	vadd.f32 v3, v2  }
0x40: {  	v3 =	vld.idx.msk [tilespmem:v0+s29+$0xC0 ss:$0x1], $0xffff;
	v4 =	vadd.f32 v5, v4  }
0x41: {  	v5 =	vld.idx.msk [tilespmem:v1+s29+$0x140 ss:$0x1], $0xffff;
	[tilespmem:v0+s29+$0x1C0 ss:$0x1] =	vst.idx.msk $0xffff, v2  }
0x42: {  	[tilespmem:v0+s29+$0x0 ss:$0x1] =	vst.idx.msk $0xffff, v4;
	v4 =	vld.idx.msk [tilespmem:v1+s29+$0x180 ss:$0x1], $0xffff  }
0x43: {  	v6 =	vadd.f32 v7, v6;
	v2 =	vld.idx.msk [tilespmem:v0+s29+$0x1D0 ss:$0x1], $0xffff  }
0x44: {  	v11 =	vld.idx.msk [tilespmem:v1+s29+$0x1D0 ss:$0x1], $0xffff  }
0x45: {  	[tilespmem:v0+s29+$0x40 ss:$0x1] =	vst.idx.msk $0xffff, v6;
	v6 =	vadd.f32 v9, v8;
	v7 =	vld.idx.msk [tilespmem:v1+s29+$0x10 ss:$0x1], $0xffff  }
0x46: {  	v9 =	vld.idx.msk [tilespmem:v0+s29+$0x50 ss:$0x1], $0xffff  }
0x47: {  	[tilespmem:v0+s29+$0x80 ss:$0x1] =	vst.idx.msk $0xffff, v6;
	v6 =	vld.idx.msk [tilespmem:v1+s29+$0x50 ss:$0x1], $0xffff  }
0x48: {  	v3 =	vadd.f32 v10, v3;
	v10 =	vld.idx.msk [tilespmem:v0+s29+$0x90 ss:$0x1], $0xffff  }
0x49: {  	v53 =	vld.idx.msk [tilespmem:v1+s29+$0x90 ss:$0x1], $0xffff;
	v5 =	vadd.f32 v5, v14  }
0x4a: {  	[tilespmem:v0+s29+$0xC0 ss:$0x1] =	vst.idx.msk $0xffff, v3;
	v2 =	vadd.f32 v11, v2;
	v11 =	vld.idx.msk [tilespmem:v0+s29+$0x10 ss:$0x1], $0xffff  }
0x4b: {  	v3 =	vadd.f32 v13, v12;
	[tilespmem:v0+s29+$0x140 ss:$0x1] =	vst.idx.msk $0xffff, v5;
	v54 =	vld.idx.msk [tilespmem:v0+s29+$0xD0 ss:$0x1], $0xffff  }
0x4c: {  	v4 =	vadd.f32 v4, v15;
	v56 =	vld.idx.msk [tilespmem:v0+s29+$0x150 ss:$0x1], $0xffff  }
0x4d: {  	[tilespmem:v0+s29+$0x100 ss:$0x1] =	vst.idx.msk $0xffff, v3;
	v3 =	vld.idx.msk [tilespmem:v1+s29+$0xD0 ss:$0x1], $0xffff  }
0x4e: {  	[tilespmem:v0+s29+$0x180 ss:$0x1] =	vst.idx.msk $0xffff, v4;
	v4 =	vld.idx.msk [tilespmem:v1+s29+$0x150 ss:$0x1], $0xffff  }
0x4f: {  	v6 =	vadd.f32 v6, v9;
	[tilespmem:v0+s29+$0x1D0 ss:$0x1] =	vst.idx.msk $0xffff, v2;
	v55 =	vld.idx.msk [tilespmem:v1+s29+$0x110 ss:$0x1], $0xffff  }
0x50: {  	v2 =	vld.idx.msk [tilespmem:v0+s29+$0x1E0 ss:$0x1], $0xffff  }
0x51: {  	v8 =	vld.idx.msk [tilespmem:v1+s29+$0x1E0 ss:$0x1], $0xffff;
	[tilespmem:v0+s29+$0x50 ss:$0x1] =	vst.idx.msk $0xffff, v6  }
0x52: {  	v6 =	vadd.f32 v53, v10;
	v57 =	vld.idx.msk [tilespmem:v0+s29+$0x60 ss:$0x1], $0xffff  }
0x53: {  	v7 =	vadd.f32 v7, v11;
	v11 =	vld.idx.msk [tilespmem:v0+s29+$0x190 ss:$0x1], $0xffff  }
0x54: {  	[tilespmem:v0+s29+$0x90 ss:$0x1] =	vst.idx.msk $0xffff, v6;
	v6 =	vld.idx.msk [tilespmem:v1+s29+$0x60 ss:$0x1], $0xffff  }
0x55: {  	v58 =	vld.idx.msk [tilespmem:v0+s29+$0xA0 ss:$0x1], $0xffff  }
0x56: {  	[tilespmem:v0+s29+$0x10 ss:$0x1] =	vst.idx.msk $0xffff, v7;
	v7 =	vld.idx.msk [tilespmem:v1+s29+$0x190 ss:$0x1], $0xffff  }
0x57: {  	v3 =	vadd.f32 v3, v54;
	v2 =	vadd.f32 v8, v2;
	v8 =	vld.idx.msk [tilespmem:v0+s29+$0x110 ss:$0x1], $0xffff  }
0x58: {  	v9 =	vld.idx.msk [tilespmem:v0+s29+$0x20 ss:$0x1], $0xffff  }
0x59: {  	v10 =	vld.idx.msk [tilespmem:v1+s29+$0x20 ss:$0x1], $0xffff;
	[tilespmem:v0+s29+$0xD0 ss:$0x1] =	vst.idx.msk $0xffff, v3  }
0x5a: {  	v59 =	vld.idx.msk [tilespmem:v0+s29+$0xE0 ss:$0x1], $0xffff;
	[tilespmem:v0+s29+$0x1E0 ss:$0x1] =	vst.idx.msk $0xffff, v2  }
0x5b: {  	v6 =	vadd.f32 v6, v57;
	v2 =	vld.idx.msk [tilespmem:v0+s29+$0x1F0 ss:$0x1], $0xffff  }
0x5c: {  	v5 =	vld.idx.msk [tilespmem:v1+s29+$0x1F0 ss:$0x1], $0xffff  }
0x5d: {  	[tilespmem:v0+s29+$0x60 ss:$0x1] =	vst.idx.msk $0xffff, v6;
	v3 =	vadd.f32 v55, v8;
	v8 =	vld.idx.msk [tilespmem:v1+s29+$0xA0 ss:$0x1], $0xffff  }
0x5e: {  	v62 =	vld.idx.msk [tilespmem:v0+s29+$0x70 ss:$0x1], $0xffff  }
0x5f: {  	v9 =	vadd.f32 v10, v9;
	v63 =	vld.idx.msk [tilespmem:v1+s29+$0x70 ss:$0x1], $0xffff  }
0x60: {  	[tilespmem:v0+s29+$0x110 ss:$0x1] =	vst.idx.msk $0xffff, v3;
	v3 =	vadd.f32 v4, v56;
	v4 =	vld.idx.msk [tilespmem:v1+s29+$0xE0 ss:$0x1], $0xffff  }
0x61: {  	[tilespmem:v0+s29+$0x20 ss:$0x1] =	vst.idx.msk $0xffff, v9;
	v60 =	vld.idx.msk [tilespmem:v0+s29+$0x120 ss:$0x1], $0xffff  }
0x62: {  	v61 =	vld.idx.msk [tilespmem:v0+s29+$0x30 ss:$0x1], $0xffff  }
0x63: {  	[tilespmem:v0+s29+$0x150 ss:$0x1] =	vst.idx.msk $0xffff, v3;
	v3 =	vadd.f32 v7, v11;
	v7 =	vld.idx.msk [tilespmem:v1+s29+$0x120 ss:$0x1], $0xffff  }
0x64: {  	v11 =	vld.idx.msk [tilespmem:v0+s29+$0x160 ss:$0x1], $0xffff  }
0x65: {  	v6 =	vadd.f32 v8, v58;
	v8 =	vld.idx.msk [tilespmem:v1+s29+$0x30 ss:$0x1], $0xffff  }
0x66: {  	[tilespmem:v0+s29+$0x190 ss:$0x1] =	vst.idx.msk $0xffff, v3;
	v3 =	vld.idx.msk [tilespmem:v1+s29+$0x160 ss:$0x1], $0xffff  }
0x67: {  	v10 =	vld.idx.msk [tilespmem:v0+s29+$0x1A0 ss:$0x1], $0xffff  }
0x68: {  	v9 =	vld.idx.msk [tilespmem:v1+s29+$0x1A0 ss:$0x1], $0xffff;
	[tilespmem:v0+s29+$0xA0 ss:$0x1] =	vst.idx.msk $0xffff, v6;
	v4 =	vadd.f32 v4, v59  }
0x69: {  	v5 =	vadd.f32 v5, v2;
	v16 =	vld.idx.msk [tilespmem:v0+s29+$0xB0 ss:$0x1], $0xffff  }
0x6a: {  	[tilespmem:v0+s29+$0xE0 ss:$0x1] =	vst.idx.msk $0xffff, v4;
	v4 =	vadd.f32 v7, v60;
	v7 =	vld.idx.msk [tilespmem:v1+s29+$0xB0 ss:$0x1], $0xffff  }
0x6b: {  	[tilespmem:v0+s29+$0x1F0 ss:$0x1] =	vst.idx.msk $0xffff, v5;
	v2 =	vld.idx.msk [tilespmem:v0+s29+$0xF0 ss:$0x1], $0xffff;
	v8 =	vadd.f32 v8, v61  }
0x6c: {  	[tilespmem:v0+s29+$0x120 ss:$0x1] =	vst.idx.msk $0xffff, v4;
	v6 =	vadd.f32 v3, v11;
	v4 =	vld.idx.msk [tilespmem:v1+s29+$0xF0 ss:$0x1], $0xffff  }
0x6d: {  	v5 =	vadd.f32 v9, v10;
	v3 =	vld.idx.msk [tilespmem:v0+s29+$0x130 ss:$0x1], $0xffff;
	[tilespmem:v0+s29+$0x30 ss:$0x1] =	vst.idx.msk $0xffff, v8  }
0x6e: {  	v9 =	vadd.f32 v63, v62;
	[tilespmem:v0+s29+$0x160 ss:$0x1] =	vst.idx.msk $0xffff, v6;
	v6 =	vld.idx.msk [tilespmem:v1+s29+$0x130 ss:$0x1], $0xffff  }
0x6f: {  	[tilespmem:v0+s29+$0x1A0 ss:$0x1] =	vst.idx.msk $0xffff, v5;
	v5 =	vld.idx.msk [tilespmem:v0+s29+$0x170 ss:$0x1], $0xffff  }
0x70: {  	s1 =	simm.s32 $0x0;
	s11 =	sshll.u32 s28, $0xD;
	v8 =	vld.idx.msk [tilespmem:v1+s29+$0x170 ss:$0x1], $0xffff;
	[tilespmem:v0+s29+$0x70 ss:$0x1] =	vst.idx.msk $0xffff, v9;
	v9 =	vadd.f32 v7, v16  }
0x71: {  	s0 =	sadd.s32 $0x800, s25;
	s31 =	sshll.u32 s26, $0x7;
	s30 =	sadd.s32 $0xB400, s11;
	v7 =	vld.idx.msk [tilespmem:v0+s29+$0x1B0 ss:$0x1], $0xffff  }
.LBB2_3:
0x72: {  	s10 =	sshra.s32 s0, $0x2;
	[tilespmem:v0+s29+$0xB0 ss:$0x1] =	vst.idx.msk $0xffff, v9;
	v2 =	vadd.f32 v4, v2;
	v4 =	vld.idx.msk [tilespmem:v1+s29+$0x1B0 ss:$0x1], $0xffff  }
0x73: {  	v9 =	vld.idx.msk [tilespmem:v0+s10+$0x1C0 ss:$0x1], $0xffff  }
0x74: {  	v10 =	vld.idx.msk [tilespmem:v1+s10+$0x1C0 ss:$0x1], $0xffff;
	[tilespmem:v0+s29+$0xF0 ss:$0x1] =	vst.idx.msk $0xffff, v2;
	v2 =	vadd.f32 v6, v3  }
0x75: {  	v3 =	vld.idx.msk [tilespmem:v0+s10+$0x0 ss:$0x1], $0xffff  }
0x76: {  	s1 =	sadd.s32 $0x8, s1;
	v6 =	vld.idx.msk [tilespmem:v1+s10+$0x0 ss:$0x1], $0xffff;
	[tilespmem:v0+s29+$0x130 ss:$0x1] =	vst.idx.msk $0xffff, v2;
	v2 =	vadd.f32 v8, v5  }
0x77: {  	p0 =	slt.u32 s1, $0x78;
	v5 =	vld.idx.msk [tilespmem:v0+s10+$0x40 ss:$0x1], $0xffff  }
0x78: {  	v8 =	vld.idx.msk [tilespmem:v1+s10+$0x40 ss:$0x1], $0xffff;
	[tilespmem:v0+s29+$0x170 ss:$0x1] =	vst.idx.msk $0xffff, v2;
	v2 =	vadd.f32 v4, v7  }
0x79: {  	v4 =	vld.idx.msk [tilespmem:v0+s10+$0x80 ss:$0x1], $0xffff  }
0x7a: {  	v9 =	vadd.f32 v10, v9;
	v7 =	vld.idx.msk [tilespmem:v1+s10+$0x80 ss:$0x1], $0xffff;
	[tilespmem:v0+s29+$0x1B0 ss:$0x1] =	vst.idx.msk $0xffff, v2;
	s29 =	smov.u32 s10  }
0x7b: {  	v2 =	vld.idx.msk [tilespmem:v0+s29+$0xC0 ss:$0x1], $0xffff  }
0x7c: {  	v3 =	vadd.f32 v6, v3;
	v6 =	vld.idx.msk [tilespmem:v1+s29+$0xC0 ss:$0x1], $0xffff;
	[tilespmem:v0+s29+$0x1C0 ss:$0x1] =	vst.idx.msk $0xffff, v9  }
0x7d: {  	v9 =	vld.idx.msk [tilespmem:v0+s29+$0x1D0 ss:$0x1], $0xffff  }
0x7e: {  	[tilespmem:v0+s29+$0x0 ss:$0x1] =	vst.idx.msk $0xffff, v3;
	v3 =	vadd.f32 v8, v5;
	v5 =	vld.idx.msk [tilespmem:v1+s29+$0x1D0 ss:$0x1], $0xffff  }
0x7f: {  	v8 =	vld.idx.msk [tilespmem:v0+s29+$0x100 ss:$0x1], $0xffff  }
0x80: {  	[tilespmem:v0+s29+$0x40 ss:$0x1] =	vst.idx.msk $0xffff, v3;
	v3 =	vadd.f32 v7, v4;
	v4 =	vld.idx.msk [tilespmem:v1+s29+$0x100 ss:$0x1], $0xffff  }
0x81: {  	v7 =	vld.idx.msk [tilespmem:v0+s29+$0x140 ss:$0x1], $0xffff  }
0x82: {  	v2 =	vadd.f32 v6, v2;
	[tilespmem:v0+s29+$0x80 ss:$0x1] =	vst.idx.msk $0xffff, v3;
	v3 =	vld.idx.msk [tilespmem:v1+s29+$0x140 ss:$0x1], $0xffff  }
0x83: {  	v6 =	vld.idx.msk [tilespmem:v0+s29+$0x180 ss:$0x1], $0xffff  }
0x84: {  	v5 =	vadd.f32 v5, v9;
	[tilespmem:v0+s29+$0xC0 ss:$0x1] =	vst.idx.msk $0xffff, v2;
	v2 =	vld.idx.msk [tilespmem:v1+s29+$0x180 ss:$0x1], $0xffff  }
0x85: {  	v9 =	vld.idx.msk [tilespmem:v0+s29+$0x10 ss:$0x1], $0xffff  }
0x86: {  	v4 =	vadd.f32 v4, v8;
	v10 =	vld.idx.msk [tilespmem:v1+s29+$0x10 ss:$0x1], $0xffff;
	[tilespmem:v0+s29+$0x1D0 ss:$0x1] =	vst.idx.msk $0xffff, v5  }
0x87: {  	v5 =	vld.idx.msk [tilespmem:v0+s29+$0x1E0 ss:$0x1], $0xffff  }
0x88: {  	v3 =	vadd.f32 v3, v7;
	[tilespmem:v0+s29+$0x100 ss:$0x1] =	vst.idx.msk $0xffff, v4;
	v4 =	vld.idx.msk [tilespmem:v1+s29+$0x1E0 ss:$0x1], $0xffff  }
0x89: {  	v7 =	vld.idx.msk [tilespmem:v0+s29+$0x50 ss:$0x1], $0xffff  }
0x8a: {  	v2 =	vadd.f32 v2, v6;
	v8 =	vld.idx.msk [tilespmem:v1+s29+$0x50 ss:$0x1], $0xffff;
	[tilespmem:v0+s29+$0x140 ss:$0x1] =	vst.idx.msk $0xffff, v3  }
0x8b: {  	v3 =	vld.idx.msk [tilespmem:v0+s29+$0x90 ss:$0x1], $0xffff  }
0x8c: {  	v6 =	vadd.f32 v10, v9;
	v9 =	vld.idx.msk [tilespmem:v1+s29+$0x90 ss:$0x1], $0xffff;
	[tilespmem:v0+s29+$0x180 ss:$0x1] =	vst.idx.msk $0xffff, v2  }
0x8d: {  	v2 =	vld.idx.msk [tilespmem:v0+s29+$0xD0 ss:$0x1], $0xffff  }
0x8e: {  	v4 =	vadd.f32 v4, v5;
	[tilespmem:v0+s29+$0x10 ss:$0x1] =	vst.idx.msk $0xffff, v6;
	v6 =	vld.idx.msk [tilespmem:v1+s29+$0xD0 ss:$0x1], $0xffff  }
0x8f: {  	v5 =	vld.idx.msk [tilespmem:v0+s29+$0x110 ss:$0x1], $0xffff  }
0x90: {  	v7 =	vadd.f32 v8, v7;
	v8 =	vld.idx.msk [tilespmem:v1+s29+$0x110 ss:$0x1], $0xffff;
	[tilespmem:v0+s29+$0x1E0 ss:$0x1] =	vst.idx.msk $0xffff, v4  }
0x91: {  	v4 =	vld.idx.msk [tilespmem:v0+s29+$0x1F0 ss:$0x1], $0xffff  }
0x92: {  	v3 =	vadd.f32 v9, v3;
	[tilespmem:v0+s29+$0x50 ss:$0x1] =	vst.idx.msk $0xffff, v7;
	v7 =	vld.idx.msk [tilespmem:v1+s29+$0x1F0 ss:$0x1], $0xffff  }
0x93: {  	v9 =	vld.idx.msk [tilespmem:v0+s29+$0x150 ss:$0x1], $0xffff  }
0x94: {  	v2 =	vadd.f32 v6, v2;
	[tilespmem:v0+s29+$0x90 ss:$0x1] =	vst.idx.msk $0xffff, v3;
	v3 =	vld.idx.msk [tilespmem:v1+s29+$0x150 ss:$0x1], $0xffff  }
0x95: {  	v6 =	vld.idx.msk [tilespmem:v0+s29+$0x190 ss:$0x1], $0xffff  }
0x96: {  	[tilespmem:v0+s29+$0xD0 ss:$0x1] =	vst.idx.msk $0xffff, v2;
	v2 =	vadd.f32 v8, v5;
	v5 =	vld.idx.msk [tilespmem:v1+s29+$0x190 ss:$0x1], $0xffff  }
0x97: {  	v8 =	vld.idx.msk [tilespmem:v0+s29+$0x20 ss:$0x1], $0xffff  }
0x98: {  	v10 =	vld.idx.msk [tilespmem:v1+s29+$0x20 ss:$0x1], $0xffff;
	[tilespmem:v0+s29+$0x110 ss:$0x1] =	vst.idx.msk $0xffff, v2;
	v2 =	vadd.f32 v7, v4  }
0x99: {  	v4 =	vld.idx.msk [tilespmem:v0+s29+$0x60 ss:$0x1], $0xffff  }
0x9a: {  	v3 =	vadd.f32 v3, v9;
	v7 =	vld.idx.msk [tilespmem:v1+s29+$0x60 ss:$0x1], $0xffff;
	[tilespmem:v0+s29+$0x1F0 ss:$0x1] =	vst.idx.msk $0xffff, v2  }
0x9b: {  	v2 =	vld.idx.msk [tilespmem:v0+s29+$0xA0 ss:$0x1], $0xffff  }
0x9c: {  	v9 =	vld.idx.msk [tilespmem:v1+s29+$0xA0 ss:$0x1], $0xffff;
	[tilespmem:v0+s29+$0x150 ss:$0x1] =	vst.idx.msk $0xffff, v3;
	v3 =	vadd.f32 v5, v6  }
0x9d: {  	v5 =	vld.idx.msk [tilespmem:v0+s29+$0xE0 ss:$0x1], $0xffff  }
0x9e: {  	v6 =	vadd.f32 v10, v8;
	v8 =	vld.idx.msk [tilespmem:v1+s29+$0xE0 ss:$0x1], $0xffff;
	[tilespmem:v0+s29+$0x190 ss:$0x1] =	vst.idx.msk $0xffff, v3  }
0x9f: {  	v3 =	vld.idx.msk [tilespmem:v0+s29+$0x120 ss:$0x1], $0xffff  }
0xa0: {  	v4 =	vadd.f32 v7, v4;
	[tilespmem:v0+s29+$0x20 ss:$0x1] =	vst.idx.msk $0xffff, v6;
	v6 =	vld.idx.msk [tilespmem:v1+s29+$0x120 ss:$0x1], $0xffff  }
0xa1: {  	v7 =	vld.idx.msk [tilespmem:v0+s29+$0x160 ss:$0x1], $0xffff  }
0xa2: {  	v2 =	vadd.f32 v9, v2;
	[tilespmem:v0+s29+$0x60 ss:$0x1] =	vst.idx.msk $0xffff, v4;
	v4 =	vld.idx.msk [tilespmem:v1+s29+$0x160 ss:$0x1], $0xffff  }
0xa3: {  	v9 =	vld.idx.msk [tilespmem:v0+s29+$0x1A0 ss:$0x1], $0xffff  }
0xa4: {  	[tilespmem:v0+s29+$0xA0 ss:$0x1] =	vst.idx.msk $0xffff, v2;
	v2 =	vadd.f32 v8, v5;
	v5 =	vld.idx.msk [tilespmem:v1+s29+$0x1A0 ss:$0x1], $0xffff  }
0xa5: {  	v8 =	vld.idx.msk [tilespmem:v0+s29+$0x30 ss:$0x1], $0xffff  }
0xa6: {  	v10 =	vld.idx.msk [tilespmem:v1+s29+$0x30 ss:$0x1], $0xffff;
	[tilespmem:v0+s29+$0xE0 ss:$0x1] =	vst.idx.msk $0xffff, v2;
	v2 =	vadd.f32 v6, v3  }
0xa7: {  	v6 =	vld.idx.msk [tilespmem:v0+s29+$0x70 ss:$0x1], $0xffff  }
0xa8: {  	v11 =	vld.idx.msk [tilespmem:v1+s29+$0x70 ss:$0x1], $0xffff;
	[tilespmem:v0+s29+$0x120 ss:$0x1] =	vst.idx.msk $0xffff, v2;
	v2 =	vadd.f32 v4, v7  }
0xa9: {  	v7 =	vld.idx.msk [tilespmem:v0+s29+$0xB0 ss:$0x1], $0xffff  }
0xaa: {  	v3 =	vadd.f32 v5, v9;
	v12 =	vld.idx.msk [tilespmem:v1+s29+$0xB0 ss:$0x1], $0xffff;
	[tilespmem:v0+s29+$0x160 ss:$0x1] =	vst.idx.msk $0xffff, v2  }
0xab: {  	v2 =	vld.idx.msk [tilespmem:v0+s29+$0xF0 ss:$0x1], $0xffff  }
0xac: {  	v5 =	vadd.f32 v10, v8;
	v4 =	vld.idx.msk [tilespmem:v1+s29+$0xF0 ss:$0x1], $0xffff;
	[tilespmem:v0+s29+$0x1A0 ss:$0x1] =	vst.idx.msk $0xffff, v3  }
.Ltmp0:
0xad: {  	v3 =	vld.idx.msk [tilespmem:v0+s29+$0x130 ss:$0x1], $0xffff;
	(pc) =	sbr.rel @p0 .LBB2_3-.Ltmp0, $4  }
0xae: {  	v8 =	vadd.f32 v11, v6;
	[tilespmem:v0+s29+$0x30 ss:$0x1] =	vst.idx.msk $0xffff, v5;
	v6 =	vld.idx.msk [tilespmem:v1+s29+$0x130 ss:$0x1], $0xffff  }
0xaf: {  	v5 =	vld.idx.msk [tilespmem:v0+s29+$0x170 ss:$0x1], $0xffff  }
0xb0: {  	v9 =	vadd.f32 v12, v7;
	[tilespmem:v0+s29+$0x70 ss:$0x1] =	vst.idx.msk $0xffff, v8;
	v8 =	vld.idx.msk [tilespmem:v1+s29+$0x170 ss:$0x1], $0xffff  }
0xb1: {  	s0 =	sadd.s32 $0x800, s0;
	v7 =	vld.idx.msk [tilespmem:v0+s29+$0x1B0 ss:$0x1], $0xffff  }
0xb2: {  	_ =	sdelay $0x3  }
0xb3: {  	v1 =	vld.idx.msk [tilespmem:v1+s29+$0x1B0 ss:$0x1], $0xffff;
	_ =	sdelay $0x1  }
0xb4: {  	v2 =	vadd.f32 v4, v2;
	s26 =	sadd.s32 $0x1, s26  }
0xb5: {  	[tilespmem:v0+s29+$0xB0 ss:$0x1] =	vst.idx.msk $0xffff, v9;
	v3 =	vadd.f32 v6, v3;
	p0 =	sne.s32 s26, $0xC8  }
.Ltmp1:
0xb6: {  	[tilespmem:v0+s29+$0xF0 ss:$0x1] =	vst.idx.msk $0xffff, v2;
	v63 =	vadd.f32 v8, v5;
	(pc) =	sbr.rel @p0 .LBB2_2-.Ltmp1, $4  }
0xb7: {  	s0 =	sadd.s32 s6, s31;
	[tilespmem:v0+s29+$0x130 ss:$0x1] =	vst.idx.msk $0xffff, v3;
	v1 =	vadd.f32 v1, v7  }
0xb8: {  	s1 =	sadd.s32 $0x7, s28;
	s0 =	sshll.u32 s0, $0x3;
	[tilespmem:v0+s29+$0x170 ss:$0x1] =	vst.idx.msk $0xffff, v63  }
0xb9: {  	s25 =	sadd.s32 $0x8000, s25;
	s24 =	sadd.s32 $0x80, s24;
	s0 =	sadd.s32 s2, s0;
	[tilespmem:v0+s29+$0x1B0 ss:$0x1] =	vst.idx.msk $0xffff, v1  }
0xba: {  	[hbm4b:s0+s3] =	stream.linear.scatter [tilespmem:s30], [sflag:s1], $0x2000, $0x38;
	[tilespmem:$0x17400] =	vst v63  }
0xbb: {  	_ =	swait.ge [sflag:s17], $0x2000  }
0xbc: {  	[sflag:s17] =	ssyncset.done $0x0  }
0xbd: {  	[sflag:s17] =	ssyncadd.s32 $0xFFFFE000  }
0xbe: {  	_ =	swait.ge [sflag:s18], $0x2000  }
0xbf: {  	[sflag:s18] =	ssyncset.done $0x0  }
0xc0: {  	[sflag:s18] =	ssyncadd.s32 $0xFFFFE000  }
0xc1: {  	_ =	swait.ge [sflag:s19], $0x2000  }
0xc2: {  	[sflag:s19] =	ssyncset.done $0x0  }
0xc3: {  	[sflag:s19] =	ssyncadd.s32 $0xFFFFE000  }
0xc4: {  	_ =	swait.ge [sflag:s20], $0x2000  }
0xc5: {  	[sflag:s20] =	ssyncset.done $0x0  }
0xc6: {  	s23 =	sadd.s32 $0x1, s23;
	[sflag:s20] =	ssyncadd.s32 $0xFFFFE000  }
0xc7: {  	p0 =	sne.s32 s23, s8;
	_ =	swait.ge [sflag:s21], $0x2000  }
.Ltmp2:
0xc8: {  	[sflag:s21] =	ssyncset.done $0x0;
	(pc) =	sbr.rel @p0 .LBB2_1-.Ltmp2, $4  }
0xc9: {  	[sflag:s21] =	ssyncadd.s32 $0xFFFFE000  }
0xca: {  	_ =	swait.ge [sflag:s22], $0x2000  }
0xcb: {  	[sflag:s22] =	ssyncset.done $0x0  }
0xcc: {  	[sflag:s22] =	ssyncadd.s32 $0xFFFFE000  }
0xcd: {  	_ =	sfence.sel $0x180000  }
0xce: {  	[bflag:$0x0] =	sbarrier.arrive $0xFFFF  }
0xcf: {  	_ =	strace $0x90000047  }
0xd0: {  	s0 =	stileid.u32;
	[bflag:$0x2] =	sbarrier.arrive $0xFFFF  }
0xd1: {  	p0 =	sne.s32 s0, $0x0;
	s0 =	rddreg [dreg:$0x2]  }
0xd2: {  	s0 =	sadd.s32 @!p0 $0x100000, s0  }
0xd3: {  	[sflag:s0] =	ssyncadd.tile.s32 @!p0 $0x1;
	_ =	shalt  }
.Lfunc_end2:
_tile_overlayer_lowered:
.L_overlay_start_2:
0xd4: {  	(tag) =	ssettag $0x2  }
0xd5: {  	s0 =	rddreg [dreg:$0x0];
	s2 =	stileid.u32  }
0xd6: {  	s1 =	rddreg [dreg:$0x1];
	p0 =	sne.s32 s2, $0x0  }
0xd7: {  	s3 =	rddreg [dreg:$0x2];
	[bflag:$0x3] =	sbarrier.arrive $0xFFFF;
	s2 =	simm.s32 @!p0 $0x1C0D  }
0xd8: {  	[timem:s3], [sflag:s2] =	dma.local @!p0 [hbm:s0], s1  }
0xd9: {  	s0 =	simm.s32 @!p0 $0xD  }
0xda: {  	_ =	swait.ge @!p0 [sflag:s0], s1  }
0xdb: {  	s1 =	ssub.s32 @!p0 $0x0, s1;
	[sflag:s0] =	ssyncset.done @!p0 $0x0  }
0xdc: {  	[sflag:s0] =	ssyncadd.s32 @!p0 s1  }
0xdd: {  	[bflag:$0x3] =	sbarrier.arrive $0xFFFF  }
0xde: {  	_ =	shalt  }

// kernel: sparse-core-data-format-call.cloned.1.call-start
scs
called_computation_lowered:
.L_overlay_start_0:
0x0: {  	s2 =	sld [smem:$0x3FD9]  }
0x1: {  	s3 =	sld [smem:$0x3FFE];
	_ =	sdelay $0x1  }
0x2: {  	s1 =	srdreg.scid  }
0x3: {  	s0 =	sand.u32 $0x1, s1  }
0x4: {  	s18 =	sshll.u32 s0, $0xA;
	s2 =	sadd.s32 s3, s2  }
0x5: {  	s2 =	sadd.s32 s2, s18  }
0x6: {  	[smem:$0x3FC5] =	sst s2  }
0x7: {  	_ = 	snop  }
0x8: {  	s2 =	sld [smem:$0x3FD0];
	(tm) =	ssettm $0x1  }
0x9: {  	s19 =	sld [smem:$0x3FFB];
	_ =	sdelay $0x3  }
0xa: {  	_ =	strace s19  }
0xb: {  	s3 =	sld [smem:$0x3FFC];
	_ =	sdelay $0x3  }
0xc: {  	_ =	strace s3  }
0xd: {  	s3 =	sld [smem:$0x3FFD];
	_ =	sdelay $0x3  }
0xe: {  	_ =	strace s3  }
0xf: {  	_ =	strace $0x8FFFFFFF  }
0x10: {  	s20 =	sld [smem:$0x3FDB];
	_ =	sdelay $0x1  }
0x11: {  	s4 =	simm.s32 $_scs_section_size  }
0x12: {  	s5 =	simm.s32 $_size__tile_overlayer_lowered;
	s6 =	simm.s32 $_tile_overlayer_lowered  }
0x13: {  	s23 =	simm.s32 $0x1BFF;
	s22 =	sshll.u32 s6, $0x1;
	s3 =	sadd.s32 s4, s20  }
0x14: {  	s7 =	simm.s32 $0x0;
	s21 =	sshll.u32 s5, $0x1;
	s5 =	sadd.s32 s22, s3  }
0x15: {  	[timem:s7], [sflag:s23] =	dma.local [hbm:s5], s21  }
0x16: {  	_ =	swait.ge [sflag:s23], s21  }
0x17: {  	s4 =	ssub.s32 $0x0, s21;
	[sflag:s23] =	ssyncset.done $0x0  }
0x18: {  	[sflag:s23] =	ssyncadd.s32 s4;
	_ =	sdelay $0x1  }
0x19: {  	s24 =	simm.s32 $0x1B8B  }
0x1a: {  	_ =	swait.ge [sflag:s24], $0x1  }
0x1b: {  	[sflag:s24] =	ssyncset.done $0x0  }
0x1c: {  	s26 =	simm.s32 $0x1B8E;
	s25 =	sld [smem:$0x3FFE];
	[sflag:s24] =	ssyncadd.s32 $0xFFFFFFFF  }
0x1d: {  	s27 =	simm.s32 $execute0_lowered;
	[smem:$0x3FD2] =	sst s26  }
0x1e: {  	s5 =	sshll.u32 s27, $0x1;
	_ =	strace $0x80000049;
	[dreg:$0x1] =	wrdreg $0xFFFFFFFF  }
0x1f: {  	s28 =	simm.s32 $_size_execute0_lowered;
	s3 =	sadd.s32 s3, s5;
	[dreg:$0x0] =	wrdreg $0x0  }
0x20: {  	s5 =	sshll.u32 s28, $0x1;
	[dreg:$0x2] =	wrdreg s3  }
0x21: {  	[dreg:$0x3] =	wrdreg s5  }
0x22: {  	[dreg:$0x4] =	wrdreg $0xC0  }
0x23: {  	_ =	task [dreg:s7], $0x5FFFF  }
0x24: {  	[dreg:$0x1] =	wrdreg $0xFFFFFFFF  }
0x25: {  	[dreg:$0x0] =	wrdreg $0x60  }
0x26: {  	[dreg:$0x2] =	wrdreg s25  }
0x27: {  	[dreg:$0x3] =	wrdreg s2  }
0x28: {  	[dreg:$0x4] =	wrdreg $0x9  }
0x29: {  	_ =	task.clear_ibuf [dreg:s7], $0x5FFFF;
	_ =	strace $0x90000049  }
0x2a: {  	s29 =	simm.s32 $0x9;
	_ =	strace $0x8000004B  }
0x2b: {  	_ =	swait.ge [sflag:s29], $0x1  }
0x2c: {  	[sflag:s29] =	ssyncadd.s32 $0xFFFFFFFF  }
0x2d: {  	_ =	strace $0x9000004B  }
0x2e: {  	_ =	sfence  }
0x2f: {  	s30 =	sld [smem:$0x0];
	_ =	sdelay $0x2  }
0x30: {  	s31 =	sshll.u32 s1, $0xD;
	s1 =	sshrl.u32 s1, $0x2  }
0x31: {  	s3 =	sand.u32 $0x4000, s31;
	s1 =	sadd.s32 s1, s30  }
0x32: {  	s0 =	sor.u32 s3, s0;
	s1 =	sshll.u32 s1, $0x11  }
0x33: {  	s0 =	sor.u32 s1, s0  }
0x34: {  	s0 =	sadd.s32 $0x8F2B, s0  }
0x35: {  	[sflag:s0] =	ssyncadd.remote.s32 $0x1  }
0x36: {  	_ =	sfence.sel $0xFFFF  }
0x37: {  	[dreg:$0x0] =	wrdreg $0xFFFFFFFF;
	(pc) =	sbr.abs _section_cstart, $3  }
0x38: {  	[dreg:$0x1] =	wrdreg $0xFFFFFFFF  }
0x39: {  	_ =	task.clear_ibuf [dreg:s7], $0x2FFFF;
	_ =	strace $0x9FFFFFFF  }
0x3a: {  	(tm) =	ssettm $0x7FFFFFFF  }
0x3b: {  	_ =	shalt  }
tec
execute0_lowered:
.L_overlay_start_1:
0x0: {  	(tag) =	ssettag $0x1  }
0x1: {  	s0 =	srdreg.scid  }
0x2: {  	s1 =	sshll.u32 s0, $0x4  }
0x3: {  	s0 =	stileid.u32;
	s1 =	sand.u32 $0x10, s1  }
0x4: {  	s1 =	sor.u32 s0, s1  }
0x5: {  	s6 =	rddreg [dreg:$0x0];
	s4 =	simm.s32 $0x1;
	s2 =	sshll.u32 s1, $0x7  }
0x6: {  	s7 =	simm.s32 $0x2;
	s12 =	simm.s32 $0x0;
	s1 =	ssub.s32 $0x1000, s2  }
0x7: {  	s8 =	simm.s32 $0x8000;
	s13 =	simm.s32 $0x0;
	s3 =	sand.u32 $0xF80, s1  }
0x8: {  	s9 =	simm.s32 $0x0;
	s5 =	sshrl.u32 s1, $0xC;
	p0 =	sne.s32 s3, $0x0  }
.Ltmp0:
0x9: {  	s1 =	rddreg [dreg:$0x2];
	s4 =	simm.s32 @!p0 $0x0;
	(pc) =	sbr.rel .LBB1_1-.Ltmp0, $4  }
0xa: {  	s11 =	simm.s32 $0x0;
	s3 =	rddreg [dreg:$0x1];
	s5 =	sadd.s32 s4, s5  }
0xb: {  	_ =	strace $0x8000004A;
	s4 =	simm.s32 $0x1;
	s5 =	smul.u32 $0xC8, s5  }
0xc: {  	s6 =	sadd.s32 $0xC00, s6;
	s10 =	smov.u32 s2;
	[sflag:s4] =	ssyncpa.u1 $0x0  }
0xd: {  	p0 =	por $0x0, $0x0;
	[sflag:s7] =	ssyncpa.u1 $0x0;
	s7 =	sor.u32 $0x1, s5  }
.LBB1_4:
0xe: {  	s16 =	sshll.u32 s13, $0x3;
	s17 =	sand.u32 $0x78, s13  }
0xf: {  	s30 =	sand.u32 $0x7E00, s13;
	s12 =	sshll.u32 s12, $0xF;
	s16 =	sand.u32 $0xC00, s16  }
0x10: {  	[tilespmem:s15+$0x810 ss:$0x81] =	vst.msk $0xffff, v2;
	s31 =	sand.u32 $0x7, s13;
	s16 =	sor.u32 s17, s16;
	s17 =	sadd.s32 s3, s30  }
0x11: {  	[tilespmem:s15+$0x1020 ss:$0x81] =	vst.msk $0xffff, v0;
	s13 =	sshll.u32 s31, $0x12;
	s12 =	sadd.s32 s12, s17;
	s16 =	sshrl.u32 s16, $0x3  }
0x12: {  	[tilespmem:s15+$0x0 ss:$0x81] =	vst.msk $0xffff, v1;
	s13 =	sor.u32 $0x400, s13;
	s12 =	sadd.s32 s16, s12  }
0x13: {  	[hbm4b:s12+s13] =	stream.strided.scatter [tilespmem:s14], [sflag:$0x2], $0x2000, s8, s13, $0x20;
	[tilespmem:$0x8080] =	vst v63  }
.LBB1_5:
0x14: {  	s14 =	sadd.s32 $0x1, s9  }
0x15: {  	s12 =	sadd.s32 $0x1000, s10;
	s16 =	smov.u32 s10;
	p2 =	sgt.s32 s14, $0xC7  }
0x16: {  	s16 =	smov.u32 @p2 s12  }
0x17: {  	s14 =	simm.s32 @p2 $0x0;
	p2 =	sgt.s32 s16, $0xFFF  }
0x18: {  	s16 =	smov.u32 @p2 s2;
	p2 =	sne.s32 s11, s7  }
.Ltmp1:
0x19: {  	p1 =	slt.u32 s11, $0x2;
	(pc) =	sbr.rel @!p2 .LBB1_6-.Ltmp1, $4  }
0x1a: {  	s15 =	simm.s32 @!p1 $0x2  }
0x1b: {  	s13 =	smov.u32 s10;
	p0 =	por !p0, !p0;
	_ =	swait.ge @!p1 [sflag:s15], $0x2000  }
0x1c: {  	s12 =	smov.u32 s9;
	[sflag:s15] =	ssyncset.done @!p1 $0x0;
	s9 =	smov.u32 s14  }
0x1d: {  	s11 =	sadd.s32 $0x1, s11;
	[sflag:s15] =	ssyncadd.s32 @!p1 $0xFFFFE000;
	s10 =	smov.u32 s16  }
.LBB1_1:
0x1e: {  	p1 =	sge.u32 s11, s5  }
0x1f: {  	s14 =	sand.u32 @!p1 $0x1FFFFFF, s9  }
0x20: {  	s15 =	smulhi.u32 @!p1 $0x147AE15, s14;
	_ =	sdelay $0x1  }
0x21: {  	s15 =	smul.u32 @!p1 $0xC8, s15  }
0x22: {  	s16 =	sxor.u32 @!p1 $0xFFFFFFFF, s11;
	s17 =	smul.u32 @!p1 $0xC80, s10  }
0x23: {  	s31 =	sadd.s32 $0xFFFFFFFF, s11;
	s16 =	sshll.u32 @!p1 s16, $0xD;
	s14 =	ssub.s32 @!p1 s14, s15  }
0x24: {  	s15 =	sand.u32 @!p1 $0x2000, s16;
	s16 =	sadd.s32 @!p1 s6, s17;
	s14 =	sshll.u32 @!p1 s14, $0x4  }
0x25: {  	s17 =	simm.s32 @!p1 $0x6400;
	s14 =	sadd.s32 @!p1 s14, s16;
	s16 =	simm.s32 @!p1 $0x40  }
0x26: {  	[tilespmem:s15], [sflag:$0x1] =	stream.strided.gather @!p1 [hbm4b:s14+s16], $0x2000, s17, s16, $0x38;
	[tilespmem:$0x8080] =	vst v63  }
0x27: {  	p1 =	sge.u32 s31, s5  }
.Ltmp2:
0x28: {  	_ = 	snop;
	(pc) =	sbr.rel @p1 .LBB1_5-.Ltmp2, $1  }
0x29: {  	_ =	sdelay $0x3  }
0x2a: {  	s14 =	simm.s32 $0x1  }
0x2b: {  	_ =	swait.ge [sflag:s4], $0x2000;
	s14 =	simm.s32 @!p0 $0x0  }
0x2c: {  	[sflag:s4] =	ssyncset.done $0x0;
	s15 =	sshll.u32 s14, $0xD  }
0x2d: {  	[sflag:s4] =	ssyncadd.s32 $0xFFFFE000;
	s18 =	sor.u32 $0x20, s15  }
0x2e: {  	s14 =	smul.u32 $0x8100, s14;
	v3 =	vld [tilespmem:s18+$0x10]  }
0x2f: {  	s30 =	sand.u32 $0x1, s11;
	v2 =	vld [tilespmem:s18+$0xFFFFFFF0]  }
0x30: {  	s15 =	smul.u32 $0x8100, s30;
	s14 =	sshrl.u32 s14, $0x2;
	v0 =	vld [tilespmem:s18+$0x0]  }
0x31: {  	v1 =	vld [tilespmem:s18+$0xFFFFFFE0];
	s16 =	sor.u32 $0x4000, s14  }
0x32: {  	s31 =	sshrl.u32 s15, $0x2;
	s15 =	sadd.s32 $0x0, s16  }
0x33: {  	s17 =	simm.s32 $0x4;
	s18 =	sadd.s32 $0x40, s18;
	s14 =	sor.u32 $0x4000, s31;
	[tilespmem:s15+$0x1830 ss:$0x81] =	vst.msk $0xffff, v3  }
.LBB1_3:
0x34: {  	v3 =	vld [tilespmem:s18+$0x10];
	p1 =	sne.s32 s17, $0x1FC;
	[tilespmem:s15+$0x810 ss:$0x81] =	vst.msk $0xffff, v2;
	s19 =	smov.u32 s17;
	s17 =	sadd.s32 $0x4, s17  }
.Ltmp3:
0x35: {  	v2 =	vld [tilespmem:s18+$0xFFFFFFF0];
	[tilespmem:s15+$0x1020 ss:$0x81] =	vst.msk $0xffff, v0;
	(pc) =	sbr.rel @p1 .LBB1_3-.Ltmp3, $4  }
0x36: {  	v0 =	vld [tilespmem:s18+$0x0];
	[tilespmem:s15+$0x0 ss:$0x81] =	vst.msk $0xffff, v1  }
0x37: {  	s15 =	sshra.s32 s19, $0x2;
	v1 =	vld [tilespmem:s18+$0xFFFFFFE0]  }
0x38: {  	s15 =	sadd.s32 s15, s16  }
0x39: {  	s18 =	sadd.s32 $0x40, s18;
	[tilespmem:s15+$0x1830 ss:$0x81] =	vst.msk $0xffff, v3  }
.Ltmp4:
0x3a: {  	_ = 	snop;
	(pc) =	sbr.rel .LBB1_4-.Ltmp4, $1  }
0x3b: {  	_ =	sdelay $0x3  }
.LBB1_6:
0x3c: {  	_ =	sfence.sel $0x180000  }
0x3d: {  	s2 =	simm.s32 $0x1;
	[bflag:$0x0] =	sbarrier.arrive $0xFFFF  }
0x3e: {  	s31 =	simm.s32 $0x2;
	[sflag:s2] =	ssyncpa.u1 $0x1  }
0x3f: {  	[sflag:s31] =	ssyncpa.u1 $0x1  }
0x40: {  	p0 =	sne.s32 s0, $0x0;
	_ =	strace $0x9000004A  }
0x41: {  	s0 =	sadd.s32 @!p0 $0x100000, s1;
	[bflag:$0x2] =	sbarrier.arrive $0xFFFF  }
0x42: {  	[sflag:s0] =	ssyncadd.tile.s32 @!p0 $0x1;
	_ =	shalt  }
.Lfunc_end1:
_tile_overlayer_lowered:
.L_overlay_start_2:
0x43: {  	(tag) =	ssettag $0x2  }
0x44: {  	s0 =	rddreg [dreg:$0x0];
	s2 =	stileid.u32  }
0x45: {  	s1 =	rddreg [dreg:$0x1];
	p0 =	sne.s32 s2, $0x0  }
0x46: {  	s3 =	rddreg [dreg:$0x2];
	[bflag:$0x3] =	sbarrier.arrive $0xFFFF;
	s2 =	simm.s32 @!p0 $0x1C01  }
0x47: {  	[timem:s3], [sflag:s2] =	dma.local @!p0 [hbm:s0], s1  }
0x48: {  	s0 =	simm.s32 @!p0 $0x1  }
0x49: {  	_ =	swait.ge @!p0 [sflag:s0], s1  }
0x4a: {  	s1 =	ssub.s32 @!p0 $0x0, s1;
	[sflag:s0] =	ssyncset.done @!p0 $0x0  }
0x4b: {  	[sflag:s0] =	ssyncadd.s32 @!p0 s1  }
0x4c: {  	[bflag:$0x3] =	sbarrier.arrive $0xFFFF  }
0x4d: {  	_ =	shalt  }

</sc_bundles>
